<compile_context>
chip_gen: v7x
topology: tpu7x:2x2x1
jax: 0.10.2.dev20260603
libtpu: 0.0.44.dev20260713+nightly
codegen_flags: <defaults>
</compile_context>

<pallas_src>
import functools

import jax
import jax.numpy as jnp
from jax import lax
from jax.experimental import pallas as pl
from jax.experimental.pallas import tpu as pltpu
from jax.experimental.pallas import tpu_sc as plsc

_B = 128
_N = 2048
_L = 16
_NC = 2
_NS = 16
_NW = _NC * _NS
_RPW = _B // _NW
_CH = _N // _L
_U = 8

_NEG = float("-inf")


def _spa_body(x_hbm, out_hbm, xin, xout, sem_in, sem_out):
    wid = lax.axis_index("s") * _NC + lax.axis_index("c")
    base = wid * _RPW
    lanes = lax.iota(jnp.int32, _L)

    in_cp = pltpu.async_copy(x_hbm.at[pl.ds(base, _RPW)], xin, sem_in)
    in_cp.wait()

    def scan_body(c, carry):
        l1s, l2s = carry
        for k in range(_U):
            off = (c * _U + k) * _L
            vs = [xin[r, pl.ds(off, _L)] for r in range(_RPW)]
            l2s = tuple(
                jnp.maximum(l2s[r], jnp.minimum(l1s[r], vs[r]))
                for r in range(_RPW))
            l1s = tuple(
                jnp.maximum(l1s[r], vs[r]) for r in range(_RPW))
        return l1s, l2s

    neg = jnp.full((_L,), _NEG)
    l1s, l2s = lax.fori_loop(
        0, _CH // _U, scan_body,
        ((neg,) * _RPW, (neg,) * _RPW))

    m1v, p1v, p2v = [], [], []
    for r in range(_RPW):
        s1, _ = plsc.sort_key_val(l1s[r], lanes, descending=True)
        m1 = s1[0]
        m2 = jnp.maximum(s1[1], jnp.max(l2s[r]))
        m1v.append(jnp.full((_L,), m1))
        p1v.append(jnp.full((_L,), jnp.maximum(m1, jnp.float32(0.0))))
        p2v.append(jnp.full((_L,), jnp.maximum(m2, jnp.float32(0.0))))

    out_cp = []
    for p in range(_RPW // 2):
        ra, rb = 2 * p, 2 * p + 1

        def fill_body(c, _):
            for k in range(_U):
                off = (c * _U + k) * _L
                va = xin[ra, pl.ds(off, _L)]
                vb = xin[rb, pl.ds(off, _L)]
                xout[ra, pl.ds(off, _L)] = jnp.where(
                    va == m1v[ra], p2v[ra], p1v[ra])
                xout[rb, pl.ds(off, _L)] = jnp.where(
                    vb == m1v[rb], p2v[rb], p1v[rb])
            return 0

        lax.fori_loop(0, _CH // _U, fill_body, 0)

        out_cp.append(
            pltpu.async_copy(
                xout.at[pl.ds(2 * p, 2)], out_hbm.at[pl.ds(base + 2 * p, 2)],
                sem_out))
    for cp in out_cp:
        cp.wait()


_spa_payment = functools.partial(
    pl.kernel,
    out_type=jax.ShapeDtypeStruct((_B, _N), jnp.float32),
    mesh=plsc.VectorSubcoreMesh(core_axis_name="c", subcore_axis_name="s"),
    scratch_types=[
        pltpu.VMEM((_RPW, _N), jnp.float32),
        pltpu.VMEM((_RPW, _N), jnp.float32),
        pltpu.SemaphoreType.DMA,
        pltpu.SemaphoreType.DMA,
    ],
    compiler_params=pltpu.CompilerParams(needs_layout_passes=False),
)(_spa_body)


def kernel(x):
    return _spa_payment(x)

# --- scband reference (transcript-rebuilt; emitter-appended) ---
"""Pipeline reference for scband-spa-payment-88399016886488 (READ-ONLY COPY).

The authoritative reference and input builder live on the scoring server;
editing this copy changes nothing except your own understanding.
"""

import jax, jax.numpy as jnp
import numpy as np

BIDDERS = 2048


def from_inputs(x, bidders):
    # The original helper is undefined upstream; the standard convention in
    # differentiable-auction code is that x already holds one bid per bidder
    # per auction: bids = x[:, :bidders].
    return x[:, :bidders], None


def setup_inputs(seed: int = 0) -> dict:
    key = jax.random.key(seed)
    x = jax.random.normal(key, (128, BIDDERS), dtype=jnp.float32)
    return {"x": x}


def reference(x):
    bids, _ = from_inputs(x, BIDDERS)
    # Original torch code: for each column j, set column j to 0 and take the
    # row-wise max. That equals max( max_{i != j} bids[:, i], 0 ).
    # Computed efficiently (and equivalently) with top-2 instead of an
    # O(B*N^2) materialization:
    vals, idx = jax.lax.top_k(bids, 2)  # vals: [B, 2], idx: [B, 2]
    cols = jnp.arange(bids.shape[1])[None, :]  # [1, N]
    # If column j is the argmax position, the max of the remaining entries is
    # the second-largest value; otherwise it's the largest value.
    other_max = jnp.where(cols == idx[:, 0:1], vals[:, 1:2], vals[:, 0:1])  # [B, N]
    # index_fill inserts a literal 0 into the max, so clamp at 0.
    return jnp.maximum(other_max, 0.0)

if __name__ == "__main__":
    import jax
    _d = setup_inputs()
    print(jax.jit(kernel)(*tuple(_d.values())))

</pallas_src>

<mosaic_0001>
#map = affine_map<(d0, d1) -> (0, 0)>
module attributes {stable_mosaic.version = 14 : i64} {
  func.func @_spa_body(%arg0: i32, %arg1: i32, %arg2: memref<128x2048xf32, #tpu.memory_space<hbm>>, %arg3: memref<128x2048xf32, #tpu.memory_space<hbm>>, %arg4: memref<4x2048xf32, #tpu.memory_space<vmem>>, %arg5: memref<4x2048xf32, #tpu.memory_space<vmem>>, %arg6: memref<!tpu.dma_semaphore, #tpu.memory_space<semaphore_mem>>, %arg7: memref<!tpu.dma_semaphore, #tpu.memory_space<semaphore_mem>>) attributes {dimension_semantics = [#tpu.dimension_semantics<core_parallel>, #tpu.dimension_semantics<subcore_parallel>], iteration_bounds = array<i64: 2, 16>, scalar_prefetch = 0 : i64, scratch_operands = 4 : i64, tpu.core_type = #tpu.core_type<sc_vector_subcore>, window_params = [{transform_indices = #map}, {transform_indices = #map}]} {
    %mul3A = arith.constant 2 : i32
    %mul3A_0 = arith.muli %arg1, %mul3A : i32
    %add3A = arith.addi %mul3A_0, %arg0 : i32
    %mul3A_1 = arith.constant 4 : i32
    %mul3A_2 = arith.muli %add3A, %mul3A_1 : i32
    %iota3A = tpu.iota {dimensions = array<i32: 0>} : vector<16xi32>
    %dma_start3A = arith.constant 0 : i32
    %dma_start3A_3 = tpu.memref_slice %arg2[%mul3A_2, %dma_start3A] : memref<128x2048xf32, #tpu.memory_space<hbm>> -> memref<4x2048xf32, #tpu.memory_space<hbm>>
    %dma_start3A_4 = arith.constant 0 : i32
    %dma_start3A_5 = tpu.memref_slice %arg2[%mul3A_2, %dma_start3A_4] : memref<128x2048xf32, #tpu.memory_space<hbm>> -> memref<4x2048xf32, #tpu.memory_space<hbm>>
    tpu.enqueue_dma source(%dma_start3A_5 : memref<4x2048xf32, #tpu.memory_space<hbm>>) target(%arg4 : memref<4x2048xf32, #tpu.memory_space<vmem>>) target_semaphore(%arg6 : memref<!tpu.dma_semaphore, #tpu.memory_space<semaphore_mem>>)
    %dma_wait3A = arith.constant 0 : i32
    %dma_wait3A_6 = tpu.memref_slice %arg2[%mul3A_2, %dma_wait3A] : memref<128x2048xf32, #tpu.memory_space<hbm>> -> memref<4x2048xf32, #tpu.memory_space<hbm>>
    %dma_wait3A_7 = arith.constant 0 : i32
    %dma_wait3A_8 = tpu.memref_slice %arg2[%mul3A_2, %dma_wait3A_7] : memref<128x2048xf32, #tpu.memory_space<hbm>> -> memref<4x2048xf32, #tpu.memory_space<hbm>>
    tpu.wait_dma2 semaphore(%arg6 : memref<!tpu.dma_semaphore, #tpu.memory_space<semaphore_mem>>) src(%dma_wait3A_8 : memref<4x2048xf32, #tpu.memory_space<hbm>>) dst(%arg4 : memref<4x2048xf32, #tpu.memory_space<vmem>>)
    %broadcast_in_dim3A = arith.constant 0xFF800000 : f32
    %broadcast_in_dim3A_9 = vector.broadcast %broadcast_in_dim3A : f32 to vector<16xf32>
    %scan3A = arith.constant 0 : i32
    %scan3A_10 = arith.constant 16 : i32
    %scan3A_11 = arith.addi %scan3A, %scan3A_10 : i32
    %scan3A_12 = arith.constant 1 : i32
    %scan3A_13:8 = scf.for %scan3A_148 = %scan3A to %scan3A_11 step %scan3A_12 iter_args(%scan3A_149 = %broadcast_in_dim3A_9, %scan3A_150 = %broadcast_in_dim3A_9, %scan3A_151 = %broadcast_in_dim3A_9, %scan3A_152 = %broadcast_in_dim3A_9, %scan3A_153 = %broadcast_in_dim3A_9, %scan3A_154 = %broadcast_in_dim3A_9, %scan3A_155 = %broadcast_in_dim3A_9, %scan3A_156 = %broadcast_in_dim3A_9) -> (vector<16xf32>, vector<16xf32>, vector<16xf32>, vector<16xf32>, vector<16xf32>, vector<16xf32>, vector<16xf32>, vector<16xf32>)  : i32 {
      %mul3A_157 = arith.constant 8 : i32
      %mul3A_158 = arith.muli %scan3A_148, %mul3A_157 : i32
      %add3A_159 = arith.constant 0 : i32
      %add3A_160 = arith.addi %mul3A_158, %add3A_159 : i32
      %mul3A_161 = arith.constant 16 : i32
      %mul3A_162 = arith.muli %add3A_160, %mul3A_161 : i32
      %get3A = arith.constant 0 : i32
      %get3A_163 = arith.index_cast %get3A : i32 to index
      %get3A_164 = arith.index_cast %mul3A_162 : i32 to index
      %get3A_165 = tpu.vector_load %arg4[%get3A_163, %get3A_164] {strides = array<i32>} : memref<4x2048xf32, #tpu.memory_space<vmem>>, vector<16xf32>,
      %get3A_166 = arith.constant 1 : i32
      %get3A_167 = arith.index_cast %get3A_166 : i32 to index
      %get3A_168 = arith.index_cast %mul3A_162 : i32 to index
      %get3A_169 = tpu.vector_load %arg4[%get3A_167, %get3A_168] {strides = array<i32>} : memref<4x2048xf32, #tpu.memory_space<vmem>>, vector<16xf32>,
      %get3A_170 = arith.constant 2 : i32
      %get3A_171 = arith.index_cast %get3A_170 : i32 to index
      %get3A_172 = arith.index_cast %mul3A_162 : i32 to index
      %get3A_173 = tpu.vector_load %arg4[%get3A_171, %get3A_172] {strides = array<i32>} : memref<4x2048xf32, #tpu.memory_space<vmem>>, vector<16xf32>,
      %get3A_174 = arith.constant 3 : i32
      %get3A_175 = arith.index_cast %get3A_174 : i32 to index
      %get3A_176 = arith.index_cast %mul3A_162 : i32 to index
      %get3A_177 = tpu.vector_load %arg4[%get3A_175, %get3A_176] {strides = array<i32>} : memref<4x2048xf32, #tpu.memory_space<vmem>>, vector<16xf32>,
      %min3A = arith.minimumf %scan3A_149, %get3A_165 : vector<16xf32>
      %max3A_178 = arith.maximumf %scan3A_153, %min3A : vector<16xf32>
      %min3A_179 = arith.minimumf %scan3A_150, %get3A_169 : vector<16xf32>
      %max3A_180 = arith.maximumf %scan3A_154, %min3A_179 : vector<16xf32>
      %min3A_181 = arith.minimumf %scan3A_151, %get3A_173 : vector<16xf32>
      %max3A_182 = arith.maximumf %scan3A_155, %min3A_181 : vector<16xf32>
      %min3A_183 = arith.minimumf %scan3A_152, %get3A_177 : vector<16xf32>
      %max3A_184 = arith.maximumf %scan3A_156, %min3A_183 : vector<16xf32>
      %max3A_185 = arith.maximumf %scan3A_149, %get3A_165 : vector<16xf32>
      %max3A_186 = arith.maximumf %scan3A_150, %get3A_169 : vector<16xf32>
      %max3A_187 = arith.maximumf %scan3A_151, %get3A_173 : vector<16xf32>
      %max3A_188 = arith.maximumf %scan3A_152, %get3A_177 : vector<16xf32>
      %mul3A_189 = arith.constant 8 : i32
      %mul3A_190 = arith.muli %scan3A_148, %mul3A_189 : i32
      %add3A_191 = arith.constant 1 : i32
      %add3A_192 = arith.addi %mul3A_190, %add3A_191 : i32
      %mul3A_193 = arith.constant 16 : i32
      %mul3A_194 = arith.muli %add3A_192, %mul3A_193 : i32
      %get3A_195 = arith.constant 0 : i32
      %get3A_196 = arith.index_cast %get3A_195 : i32 to index
      %get3A_197 = arith.index_cast %mul3A_194 : i32 to index
      %get3A_198 = tpu.vector_load %arg4[%get3A_196, %get3A_197] {strides = array<i32>} : memref<4x2048xf32, #tpu.memory_space<vmem>>, vector<16xf32>,
      %get3A_199 = arith.constant 1 : i32
      %get3A_200 = arith.index_cast %get3A_199 : i32 to index
      %get3A_201 = arith.index_cast %mul3A_194 : i32 to index
      %get3A_202 = tpu.vector_load %arg4[%get3A_200, %get3A_201] {strides = array<i32>} : memref<4x2048xf32, #tpu.memory_space<vmem>>, vector<16xf32>,
      %get3A_203 = arith.constant 2 : i32
      %get3A_204 = arith.index_cast %get3A_203 : i32 to index
      %get3A_205 = arith.index_cast %mul3A_194 : i32 to index
      %get3A_206 = tpu.vector_load %arg4[%get3A_204, %get3A_205] {strides = array<i32>} : memref<4x2048xf32, #tpu.memory_space<vmem>>, vector<16xf32>,
      %get3A_207 = arith.constant 3 : i32
      %get3A_208 = arith.index_cast %get3A_207 : i32 to index
      %get3A_209 = arith.index_cast %mul3A_194 : i32 to index
      %get3A_210 = tpu.vector_load %arg4[%get3A_208, %get3A_209] {strides = array<i32>} : memref<4x2048xf32, #tpu.memory_space<vmem>>, vector<16xf32>,
      %min3A_211 = arith.minimumf %max3A_185, %get3A_198 : vector<16xf32>
      %max3A_212 = arith.maximumf %max3A_178, %min3A_211 : vector<16xf32>
      %min3A_213 = arith.minimumf %max3A_186, %get3A_202 : vector<16xf32>
      %max3A_214 = arith.maximumf %max3A_180, %min3A_213 : vector<16xf32>
      %min3A_215 = arith.minimumf %max3A_187, %get3A_206 : vector<16xf32>
      %max3A_216 = arith.maximumf %max3A_182, %min3A_215 : vector<16xf32>
      %min3A_217 = arith.minimumf %max3A_188, %get3A_210 : vector<16xf32>
      %max3A_218 = arith.maximumf %max3A_184, %min3A_217 : vector<16xf32>
      %max3A_219 = arith.maximumf %max3A_185, %get3A_198 : vector<16xf32>
      %max3A_220 = arith.maximumf %max3A_186, %get3A_202 : vector<16xf32>
      %max3A_221 = arith.maximumf %max3A_187, %get3A_206 : vector<16xf32>
      %max3A_222 = arith.maximumf %max3A_188, %get3A_210 : vector<16xf32>
      %mul3A_223 = arith.constant 8 : i32
      %mul3A_224 = arith.muli %scan3A_148, %mul3A_223 : i32
      %add3A_225 = arith.constant 2 : i32
      %add3A_226 = arith.addi %mul3A_224, %add3A_225 : i32
      %mul3A_227 = arith.constant 16 : i32
      %mul3A_228 = arith.muli %add3A_226, %mul3A_227 : i32
      %get3A_229 = arith.constant 0 : i32
      %get3A_230 = arith.index_cast %get3A_229 : i32 to index
      %get3A_231 = arith.index_cast %mul3A_228 : i32 to index
      %get3A_232 = tpu.vector_load %arg4[%get3A_230, %get3A_231] {strides = array<i32>} : memref<4x2048xf32, #tpu.memory_space<vmem>>, vector<16xf32>,
      %get3A_233 = arith.constant 1 : i32
      %get3A_234 = arith.index_cast %get3A_233 : i32 to index
      %get3A_235 = arith.index_cast %mul3A_228 : i32 to index
      %get3A_236 = tpu.vector_load %arg4[%get3A_234, %get3A_235] {strides = array<i32>} : memref<4x2048xf32, #tpu.memory_space<vmem>>, vector<16xf32>,
      %get3A_237 = arith.constant 2 : i32
      %get3A_238 = arith.index_cast %get3A_237 : i32 to index
      %get3A_239 = arith.index_cast %mul3A_228 : i32 to index
      %get3A_240 = tpu.vector_load %arg4[%get3A_238, %get3A_239] {strides = array<i32>} : memref<4x2048xf32, #tpu.memory_space<vmem>>, vector<16xf32>,
      %get3A_241 = arith.constant 3 : i32
      %get3A_242 = arith.index_cast %get3A_241 : i32 to index
      %get3A_243 = arith.index_cast %mul3A_228 : i32 to index
      %get3A_244 = tpu.vector_load %arg4[%get3A_242, %get3A_243] {strides = array<i32>} : memref<4x2048xf32, #tpu.memory_space<vmem>>, vector<16xf32>,
      %min3A_245 = arith.minimumf %max3A_219, %get3A_232 : vector<16xf32>
      %max3A_246 = arith.maximumf %max3A_212, %min3A_245 : vector<16xf32>
      %min3A_247 = arith.minimumf %max3A_220, %get3A_236 : vector<16xf32>
      %max3A_248 = arith.maximumf %max3A_214, %min3A_247 : vector<16xf32>
      %min3A_249 = arith.minimumf %max3A_221, %get3A_240 : vector<16xf32>
      %max3A_250 = arith.maximumf %max3A_216, %min3A_249 : vector<16xf32>
      %min3A_251 = arith.minimumf %max3A_222, %get3A_244 : vector<16xf32>
      %max3A_252 = arith.maximumf %max3A_218, %min3A_251 : vector<16xf32>
      %max3A_253 = arith.maximumf %max3A_219, %get3A_232 : vector<16xf32>
      %max3A_254 = arith.maximumf %max3A_220, %get3A_236 : vector<16xf32>
      %max3A_255 = arith.maximumf %max3A_221, %get3A_240 : vector<16xf32>
      %max3A_256 = arith.maximumf %max3A_222, %get3A_244 : vector<16xf32>
      %mul3A_257 = arith.constant 8 : i32
      %mul3A_258 = arith.muli %scan3A_148, %mul3A_257 : i32
      %add3A_259 = arith.constant 3 : i32
      %add3A_260 = arith.addi %mul3A_258, %add3A_259 : i32
      %mul3A_261 = arith.constant 16 : i32
      %mul3A_262 = arith.muli %add3A_260, %mul3A_261 : i32
      %get3A_263 = arith.constant 0 : i32
      %get3A_264 = arith.index_cast %get3A_263 : i32 to index
      %get3A_265 = arith.index_cast %mul3A_262 : i32 to index
      %get3A_266 = tpu.vector_load %arg4[%get3A_264, %get3A_265] {strides = array<i32>} : memref<4x2048xf32, #tpu.memory_space<vmem>>, vector<16xf32>,
      %get3A_267 = arith.constant 1 : i32
      %get3A_268 = arith.index_cast %get3A_267 : i32 to index
      %get3A_269 = arith.index_cast %mul3A_262 : i32 to index
      %get3A_270 = tpu.vector_load %arg4[%get3A_268, %get3A_269] {strides = array<i32>} : memref<4x2048xf32, #tpu.memory_space<vmem>>, vector<16xf32>,
      %get3A_271 = arith.constant 2 : i32
      %get3A_272 = arith.index_cast %get3A_271 : i32 to index
      %get3A_273 = arith.index_cast %mul3A_262 : i32 to index
      %get3A_274 = tpu.vector_load %arg4[%get3A_272, %get3A_273] {strides = array<i32>} : memref<4x2048xf32, #tpu.memory_space<vmem>>, vector<16xf32>,
      %get3A_275 = arith.constant 3 : i32
      %get3A_276 = arith.index_cast %get3A_275 : i32 to index
      %get3A_277 = arith.index_cast %mul3A_262 : i32 to index
      %get3A_278 = tpu.vector_load %arg4[%get3A_276, %get3A_277] {strides = array<i32>} : memref<4x2048xf32, #tpu.memory_space<vmem>>, vector<16xf32>,
      %min3A_279 = arith.minimumf %max3A_253, %get3A_266 : vector<16xf32>
      %max3A_280 = arith.maximumf %max3A_246, %min3A_279 : vector<16xf32>
      %min3A_281 = arith.minimumf %max3A_254, %get3A_270 : vector<16xf32>
      %max3A_282 = arith.maximumf %max3A_248, %min3A_281 : vector<16xf32>
      %min3A_283 = arith.minimumf %max3A_255, %get3A_274 : vector<16xf32>
      %max3A_284 = arith.maximumf %max3A_250, %min3A_283 : vector<16xf32>
      %min3A_285 = arith.minimumf %max3A_256, %get3A_278 : vector<16xf32>
      %max3A_286 = arith.maximumf %max3A_252, %min3A_285 : vector<16xf32>
      %max3A_287 = arith.maximumf %max3A_253, %get3A_266 : vector<16xf32>
      %max3A_288 = arith.maximumf %max3A_254, %get3A_270 : vector<16xf32>
      %max3A_289 = arith.maximumf %max3A_255, %get3A_274 : vector<16xf32>
      %max3A_290 = arith.maximumf %max3A_256, %get3A_278 : vector<16xf32>
      %mul3A_291 = arith.constant 8 : i32
      %mul3A_292 = arith.muli %scan3A_148, %mul3A_291 : i32
      %add3A_293 = arith.constant 4 : i32
      %add3A_294 = arith.addi %mul3A_292, %add3A_293 : i32
      %mul3A_295 = arith.constant 16 : i32
      %mul3A_296 = arith.muli %add3A_294, %mul3A_295 : i32
      %get3A_297 = arith.constant 0 : i32
      %get3A_298 = arith.index_cast %get3A_297 : i32 to index
      %get3A_299 = arith.index_cast %mul3A_296 : i32 to index
      %get3A_300 = tpu.vector_load %arg4[%get3A_298, %get3A_299] {strides = array<i32>} : memref<4x2048xf32, #tpu.memory_space<vmem>>, vector<16xf32>,
      %get3A_301 = arith.constant 1 : i32
      %get3A_302 = arith.index_cast %get3A_301 : i32 to index
      %get3A_303 = arith.index_cast %mul3A_296 : i32 to index
      %get3A_304 = tpu.vector_load %arg4[%get3A_302, %get3A_303] {strides = array<i32>} : memref<4x2048xf32, #tpu.memory_space<vmem>>, vector<16xf32>,
      %get3A_305 = arith.constant 2 : i32
      %get3A_306 = arith.index_cast %get3A_305 : i32 to index
      %get3A_307 = arith.index_cast %mul3A_296 : i32 to index
      %get3A_308 = tpu.vector_load %arg4[%get3A_306, %get3A_307] {strides = array<i32>} : memref<4x2048xf32, #tpu.memory_space<vmem>>, vector<16xf32>,
      %get3A_309 = arith.constant 3 : i32
      %get3A_310 = arith.index_cast %get3A_309 : i32 to index
      %get3A_311 = arith.index_cast %mul3A_296 : i32 to index
      %get3A_312 = tpu.vector_load %arg4[%get3A_310, %get3A_311] {strides = array<i32>} : memref<4x2048xf32, #tpu.memory_space<vmem>>, vector<16xf32>,
      %min3A_313 = arith.minimumf %max3A_287, %get3A_300 : vector<16xf32>
      %max3A_314 = arith.maximumf %max3A_280, %min3A_313 : vector<16xf32>
      %min3A_315 = arith.minimumf %max3A_288, %get3A_304 : vector<16xf32>
      %max3A_316 = arith.maximumf %max3A_282, %min3A_315 : vector<16xf32>
      %min3A_317 = arith.minimumf %max3A_289, %get3A_308 : vector<16xf32>
      %max3A_318 = arith.maximumf %max3A_284, %min3A_317 : vector<16xf32>
      %min3A_319 = arith.minimumf %max3A_290, %get3A_312 : vector<16xf32>
      %max3A_320 = arith.maximumf %max3A_286, %min3A_319 : vector<16xf32>
      %max3A_321 = arith.maximumf %max3A_287, %get3A_300 : vector<16xf32>
      %max3A_322 = arith.maximumf %max3A_288, %get3A_304 : vector<16xf32>
      %max3A_323 = arith.maximumf %max3A_289, %get3A_308 : vector<16xf32>
      %max3A_324 = arith.maximumf %max3A_290, %get3A_312 : vector<16xf32>
      %mul3A_325 = arith.constant 8 : i32
      %mul3A_326 = arith.muli %scan3A_148, %mul3A_325 : i32
      %add3A_327 = arith.constant 5 : i32
      %add3A_328 = arith.addi %mul3A_326, %add3A_327 : i32
      %mul3A_329 = arith.constant 16 : i32
      %mul3A_330 = arith.muli %add3A_328, %mul3A_329 : i32
      %get3A_331 = arith.constant 0 : i32
      %get3A_332 = arith.index_cast %get3A_331 : i32 to index
      %get3A_333 = arith.index_cast %mul3A_330 : i32 to index
      %get3A_334 = tpu.vector_load %arg4[%get3A_332, %get3A_333] {strides = array<i32>} : memref<4x2048xf32, #tpu.memory_space<vmem>>, vector<16xf32>,
      %get3A_335 = arith.constant 1 : i32
      %get3A_336 = arith.index_cast %get3A_335 : i32 to index
      %get3A_337 = arith.index_cast %mul3A_330 : i32 to index
      %get3A_338 = tpu.vector_load %arg4[%get3A_336, %get3A_337] {strides = array<i32>} : memref<4x2048xf32, #tpu.memory_space<vmem>>, vector<16xf32>,
      %get3A_339 = arith.constant 2 : i32
      %get3A_340 = arith.index_cast %get3A_339 : i32 to index
      %get3A_341 = arith.index_cast %mul3A_330 : i32 to index
      %get3A_342 = tpu.vector_load %arg4[%get3A_340, %get3A_341] {strides = array<i32>} : memref<4x2048xf32, #tpu.memory_space<vmem>>, vector<16xf32>,
      %get3A_343 = arith.constant 3 : i32
      %get3A_344 = arith.index_cast %get3A_343 : i32 to index
      %get3A_345 = arith.index_cast %mul3A_330 : i32 to index
      %get3A_346 = tpu.vector_load %arg4[%get3A_344, %get3A_345] {strides = array<i32>} : memref<4x2048xf32, #tpu.memory_space<vmem>>, vector<16xf32>,
      %min3A_347 = arith.minimumf %max3A_321, %get3A_334 : vector<16xf32>
      %max3A_348 = arith.maximumf %max3A_314, %min3A_347 : vector<16xf32>
      %min3A_349 = arith.minimumf %max3A_322, %get3A_338 : vector<16xf32>
      %max3A_350 = arith.maximumf %max3A_316, %min3A_349 : vector<16xf32>
      %min3A_351 = arith.minimumf %max3A_323, %get3A_342 : vector<16xf32>
      %max3A_352 = arith.maximumf %max3A_318, %min3A_351 : vector<16xf32>
      %min3A_353 = arith.minimumf %max3A_324, %get3A_346 : vector<16xf32>
      %max3A_354 = arith.maximumf %max3A_320, %min3A_353 : vector<16xf32>
      %max3A_355 = arith.maximumf %max3A_321, %get3A_334 : vector<16xf32>
      %max3A_356 = arith.maximumf %max3A_322, %get3A_338 : vector<16xf32>
      %max3A_357 = arith.maximumf %max3A_323, %get3A_342 : vector<16xf32>
      %max3A_358 = arith.maximumf %max3A_324, %get3A_346 : vector<16xf32>
      %mul3A_359 = arith.constant 8 : i32
      %mul3A_360 = arith.muli %scan3A_148, %mul3A_359 : i32
      %add3A_361 = arith.constant 6 : i32
      %add3A_362 = arith.addi %mul3A_360, %add3A_361 : i32
      %mul3A_363 = arith.constant 16 : i32
      %mul3A_364 = arith.muli %add3A_362, %mul3A_363 : i32
      %get3A_365 = arith.constant 0 : i32
      %get3A_366 = arith.index_cast %get3A_365 : i32 to index
      %get3A_367 = arith.index_cast %mul3A_364 : i32 to index
      %get3A_368 = tpu.vector_load %arg4[%get3A_366, %get3A_367] {strides = array<i32>} : memref<4x2048xf32, #tpu.memory_space<vmem>>, vector<16xf32>,
      %get3A_369 = arith.constant 1 : i32
      %get3A_370 = arith.index_cast %get3A_369 : i32 to index
      %get3A_371 = arith.index_cast %mul3A_364 : i32 to index
      %get3A_372 = tpu.vector_load %arg4[%get3A_370, %get3A_371] {strides = array<i32>} : memref<4x2048xf32, #tpu.memory_space<vmem>>, vector<16xf32>,
      %get3A_373 = arith.constant 2 : i32
      %get3A_374 = arith.index_cast %get3A_373 : i32 to index
      %get3A_375 = arith.index_cast %mul3A_364 : i32 to index
      %get3A_376 = tpu.vector_load %arg4[%get3A_374, %get3A_375] {strides = array<i32>} : memref<4x2048xf32, #tpu.memory_space<vmem>>, vector<16xf32>,
      %get3A_377 = arith.constant 3 : i32
      %get3A_378 = arith.index_cast %get3A_377 : i32 to index
      %get3A_379 = arith.index_cast %mul3A_364 : i32 to index
      %get3A_380 = tpu.vector_load %arg4[%get3A_378, %get3A_379] {strides = array<i32>} : memref<4x2048xf32, #tpu.memory_space<vmem>>, vector<16xf32>,
      %min3A_381 = arith.minimumf %max3A_355, %get3A_368 : vector<16xf32>
      %max3A_382 = arith.maximumf %max3A_348, %min3A_381 : vector<16xf32>
      %min3A_383 = arith.minimumf %max3A_356, %get3A_372 : vector<16xf32>
      %max3A_384 = arith.maximumf %max3A_350, %min3A_383 : vector<16xf32>
      %min3A_385 = arith.minimumf %max3A_357, %get3A_376 : vector<16xf32>
      %max3A_386 = arith.maximumf %max3A_352, %min3A_385 : vector<16xf32>
      %min3A_387 = arith.minimumf %max3A_358, %get3A_380 : vector<16xf32>
      %max3A_388 = arith.maximumf %max3A_354, %min3A_387 : vector<16xf32>
      %max3A_389 = arith.maximumf %max3A_355, %get3A_368 : vector<16xf32>
      %max3A_390 = arith.maximumf %max3A_356, %get3A_372 : vector<16xf32>
      %max3A_391 = arith.maximumf %max3A_357, %get3A_376 : vector<16xf32>
      %max3A_392 = arith.maximumf %max3A_358, %get3A_380 : vector<16xf32>
      %mul3A_393 = arith.constant 8 : i32
      %mul3A_394 = arith.muli %scan3A_148, %mul3A_393 : i32
      %add3A_395 = arith.constant 7 : i32
      %add3A_396 = arith.addi %mul3A_394, %add3A_395 : i32
      %mul3A_397 = arith.constant 16 : i32
      %mul3A_398 = arith.muli %add3A_396, %mul3A_397 : i32
      %get3A_399 = arith.constant 0 : i32
      %get3A_400 = arith.index_cast %get3A_399 : i32 to index
      %get3A_401 = arith.index_cast %mul3A_398 : i32 to index
      %get3A_402 = tpu.vector_load %arg4[%get3A_400, %get3A_401] {strides = array<i32>} : memref<4x2048xf32, #tpu.memory_space<vmem>>, vector<16xf32>,
      %get3A_403 = arith.constant 1 : i32
      %get3A_404 = arith.index_cast %get3A_403 : i32 to index
      %get3A_405 = arith.index_cast %mul3A_398 : i32 to index
      %get3A_406 = tpu.vector_load %arg4[%get3A_404, %get3A_405] {strides = array<i32>} : memref<4x2048xf32, #tpu.memory_space<vmem>>, vector<16xf32>,
      %get3A_407 = arith.constant 2 : i32
      %get3A_408 = arith.index_cast %get3A_407 : i32 to index
      %get3A_409 = arith.index_cast %mul3A_398 : i32 to index
      %get3A_410 = tpu.vector_load %arg4[%get3A_408, %get3A_409] {strides = array<i32>} : memref<4x2048xf32, #tpu.memory_space<vmem>>, vector<16xf32>,
      %get3A_411 = arith.constant 3 : i32
      %get3A_412 = arith.index_cast %get3A_411 : i32 to index
      %get3A_413 = arith.index_cast %mul3A_398 : i32 to index
      %get3A_414 = tpu.vector_load %arg4[%get3A_412, %get3A_413] {strides = array<i32>} : memref<4x2048xf32, #tpu.memory_space<vmem>>, vector<16xf32>,
      %min3A_415 = arith.minimumf %max3A_389, %get3A_402 : vector<16xf32>
      %max3A_416 = arith.maximumf %max3A_382, %min3A_415 : vector<16xf32>
      %min3A_417 = arith.minimumf %max3A_390, %get3A_406 : vector<16xf32>
      %max3A_418 = arith.maximumf %max3A_384, %min3A_417 : vector<16xf32>
      %min3A_419 = arith.minimumf %max3A_391, %get3A_410 : vector<16xf32>
      %max3A_420 = arith.maximumf %max3A_386, %min3A_419 : vector<16xf32>
      %min3A_421 = arith.minimumf %max3A_392, %get3A_414 : vector<16xf32>
      %max3A_422 = arith.maximumf %max3A_388, %min3A_421 : vector<16xf32>
      %max3A_423 = arith.maximumf %max3A_389, %get3A_402 : vector<16xf32>
      %max3A_424 = arith.maximumf %max3A_390, %get3A_406 : vector<16xf32>
      %max3A_425 = arith.maximumf %max3A_391, %get3A_410 : vector<16xf32>
      %max3A_426 = arith.maximumf %max3A_392, %get3A_414 : vector<16xf32>
      scf.yield %max3A_423, %max3A_424, %max3A_425, %max3A_426, %max3A_416, %max3A_418, %max3A_420, %max3A_422 : vector<16xf32>, vector<16xf32>, vector<16xf32>, vector<16xf32>, vector<16xf32>, vector<16xf32>, vector<16xf32>, vector<16xf32>
    }
    %scan3A_14 = arith.constant 16 : i32
    %masked_sort3A = arith.constant dense<true> : vector<16xi1>
    %masked_sort3A_15, %masked_sort3A_16, %masked_sort3A_17 = tpu.sort %scan3A_13#0, %iota3A masked %masked_sort3A {descending = true} : (vector<16xf32>, vector<16xi32>, vector<16xi1>) -> (vector<16xi1>, vector<16xf32>, vector<16xi32>)
    %slice3A = vector.extract_strided_slice %masked_sort3A_16 {offsets = [0], sizes = [1], strides = [1]} : vector<16xf32> to vector<1xf32>
    %squeeze3A = vector.extract %slice3A[0] : f32 from vector<1xf32>
    %slice3A_18 = vector.extract_strided_slice %masked_sort3A_16 {offsets = [1], sizes = [1], strides = [1]} : vector<16xf32> to vector<1xf32>
    %squeeze3A_19 = vector.extract %slice3A_18[0] : f32 from vector<1xf32>
    %reduce_max3A = arith.constant true
    %reduce_max3A_20 = vector.broadcast %reduce_max3A : i1 to vector<16xi1>
    %reduce_max3A_21 = tpu.scan <max>, %scan3A_13#4 masked %reduce_max3A_20 : vector<16xf32>, vector<16xi1> -> vector<16xf32>
    %reduce_max3A_22 = vector.extract %reduce_max3A_21[15] : f32 from vector<16xf32>
    %max3A = arith.maximumf %squeeze3A_19, %reduce_max3A_22 : f32
    %broadcast_in_dim3A_23 = vector.broadcast %squeeze3A : f32 to vector<16xf32>
    %max3A_24 = arith.constant 0.000000e+00 : f32
    %max3A_25 = arith.maximumf %squeeze3A, %max3A_24 : f32
    %broadcast_in_dim3A_26 = vector.broadcast %max3A_25 : f32 to vector<16xf32>
    %max3A_27 = arith.constant 0.000000e+00 : f32
    %max3A_28 = arith.maximumf %max3A, %max3A_27 : f32
    %broadcast_in_dim3A_29 = vector.broadcast %max3A_28 : f32 to vector<16xf32>
    %masked_sort3A_30 = arith.constant dense<true> : vector<16xi1>
    %masked_sort3A_31, %masked_sort3A_32, %masked_sort3A_33 = tpu.sort %scan3A_13#1, %iota3A masked %masked_sort3A_30 {descending = true} : (vector<16xf32>, vector<16xi32>, vector<16xi1>) -> (vector<16xi1>, vector<16xf32>, vector<16xi32>)
    %slice3A_34 = vector.extract_strided_slice %masked_sort3A_32 {offsets = [0], sizes = [1], strides = [1]} : vector<16xf32> to vector<1xf32>
    %squeeze3A_35 = vector.extract %slice3A_34[0] : f32 from vector<1xf32>
    %slice3A_36 = vector.extract_strided_slice %masked_sort3A_32 {offsets = [1], sizes = [1], strides = [1]} : vector<16xf32> to vector<1xf32>
    %squeeze3A_37 = vector.extract %slice3A_36[0] : f32 from vector<1xf32>
    %reduce_max3A_38 = arith.constant true
    %reduce_max3A_39 = vector.broadcast %reduce_max3A_38 : i1 to vector<16xi1>
    %reduce_max3A_40 = tpu.scan <max>, %scan3A_13#5 masked %reduce_max3A_39 : vector<16xf32>, vector<16xi1> -> vector<16xf32>
    %reduce_max3A_41 = vector.extract %reduce_max3A_40[15] : f32 from vector<16xf32>
    %max3A_42 = arith.maximumf %squeeze3A_37, %reduce_max3A_41 : f32
    %broadcast_in_dim3A_43 = vector.broadcast %squeeze3A_35 : f32 to vector<16xf32>
    %max3A_44 = arith.constant 0.000000e+00 : f32
    %max3A_45 = arith.maximumf %squeeze3A_35, %max3A_44 : f32
    %broadcast_in_dim3A_46 = vector.broadcast %max3A_45 : f32 to vector<16xf32>
    %max3A_47 = arith.constant 0.000000e+00 : f32
    %max3A_48 = arith.maximumf %max3A_42, %max3A_47 : f32
    %broadcast_in_dim3A_49 = vector.broadcast %max3A_48 : f32 to vector<16xf32>
    %masked_sort3A_50 = arith.constant dense<true> : vector<16xi1>
    %masked_sort3A_51, %masked_sort3A_52, %masked_sort3A_53 = tpu.sort %scan3A_13#2, %iota3A masked %masked_sort3A_50 {descending = true} : (vector<16xf32>, vector<16xi32>, vector<16xi1>) -> (vector<16xi1>, vector<16xf32>, vector<16xi32>)
    %slice3A_54 = vector.extract_strided_slice %masked_sort3A_52 {offsets = [0], sizes = [1], strides = [1]} : vector<16xf32> to vector<1xf32>
    %squeeze3A_55 = vector.extract %slice3A_54[0] : f32 from vector<1xf32>
    %slice3A_56 = vector.extract_strided_slice %masked_sort3A_52 {offsets = [1], sizes = [1], strides = [1]} : vector<16xf32> to vector<1xf32>
    %squeeze3A_57 = vector.extract %slice3A_56[0] : f32 from vector<1xf32>
    %reduce_max3A_58 = arith.constant true
    %reduce_max3A_59 = vector.broadcast %reduce_max3A_58 : i1 to vector<16xi1>
    %reduce_max3A_60 = tpu.scan <max>, %scan3A_13#6 masked %reduce_max3A_59 : vector<16xf32>, vector<16xi1> -> vector<16xf32>
    %reduce_max3A_61 = vector.extract %reduce_max3A_60[15] : f32 from vector<16xf32>
    %max3A_62 = arith.maximumf %squeeze3A_57, %reduce_max3A_61 : f32
    %broadcast_in_dim3A_63 = vector.broadcast %squeeze3A_55 : f32 to vector<16xf32>
    %max3A_64 = arith.constant 0.000000e+00 : f32
    %max3A_65 = arith.maximumf %squeeze3A_55, %max3A_64 : f32
    %broadcast_in_dim3A_66 = vector.broadcast %max3A_65 : f32 to vector<16xf32>
    %max3A_67 = arith.constant 0.000000e+00 : f32
    %max3A_68 = arith.maximumf %max3A_62, %max3A_67 : f32
    %broadcast_in_dim3A_69 = vector.broadcast %max3A_68 : f32 to vector<16xf32>
    %masked_sort3A_70 = arith.constant dense<true> : vector<16xi1>
    %masked_sort3A_71, %masked_sort3A_72, %masked_sort3A_73 = tpu.sort %scan3A_13#3, %iota3A masked %masked_sort3A_70 {descending = true} : (vector<16xf32>, vector<16xi32>, vector<16xi1>) -> (vector<16xi1>, vector<16xf32>, vector<16xi32>)
    %slice3A_74 = vector.extract_strided_slice %masked_sort3A_72 {offsets = [0], sizes = [1], strides = [1]} : vector<16xf32> to vector<1xf32>
    %squeeze3A_75 = vector.extract %slice3A_74[0] : f32 from vector<1xf32>
    %slice3A_76 = vector.extract_strided_slice %masked_sort3A_72 {offsets = [1], sizes = [1], strides = [1]} : vector<16xf32> to vector<1xf32>
    %squeeze3A_77 = vector.extract %slice3A_76[0] : f32 from vector<1xf32>
    %reduce_max3A_78 = arith.constant true
    %reduce_max3A_79 = vector.broadcast %reduce_max3A_78 : i1 to vector<16xi1>
    %reduce_max3A_80 = tpu.scan <max>, %scan3A_13#7 masked %reduce_max3A_79 : vector<16xf32>, vector<16xi1> -> vector<16xf32>
    %reduce_max3A_81 = vector.extract %reduce_max3A_80[15] : f32 from vector<16xf32>
    %max3A_82 = arith.maximumf %squeeze3A_77, %reduce_max3A_81 : f32
    %broadcast_in_dim3A_83 = vector.broadcast %squeeze3A_75 : f32 to vector<16xf32>
    %max3A_84 = arith.constant 0.000000e+00 : f32
    %max3A_85 = arith.maximumf %squeeze3A_75, %max3A_84 : f32
    %broadcast_in_dim3A_86 = vector.broadcast %max3A_85 : f32 to vector<16xf32>
    %max3A_87 = arith.constant 0.000000e+00 : f32
    %max3A_88 = arith.maximumf %max3A_82, %max3A_87 : f32
    %broadcast_in_dim3A_89 = vector.broadcast %max3A_88 : f32 to vector<16xf32>
    %scan3A_90 = arith.constant 0 : i32
    %scan3A_91 = arith.constant 0 : i32
    %scan3A_92 = arith.constant 16 : i32
    %scan3A_93 = arith.addi %scan3A_91, %scan3A_92 : i32
    %scan3A_94 = arith.constant 1 : i32
    %scan3A_95 = scf.for %scan3A_148 = %scan3A_91 to %scan3A_93 step %scan3A_94 iter_args(%scan3A_149 = %scan3A_90) -> (i32)  : i32 {
      %mul3A_150 = arith.constant 8 : i32
      %mul3A_151 = arith.muli %scan3A_148, %mul3A_150 : i32
      %add3A_152 = arith.constant 0 : i32
      %add3A_153 = arith.addi %mul3A_151, %add3A_152 : i32
      %mul3A_154 = arith.constant 16 : i32
      %mul3A_155 = arith.muli %add3A_153, %mul3A_154 : i32
      %get3A = arith.constant 0 : i32
      %get3A_156 = arith.index_cast %get3A : i32 to index
      %get3A_157 = arith.index_cast %mul3A_155 : i32 to index
      %get3A_158 = tpu.vector_load %arg4[%get3A_156, %get3A_157] {strides = array<i32>} : memref<4x2048xf32, #tpu.memory_space<vmem>>, vector<16xf32>,
      %get3A_159 = arith.constant 1 : i32
      %get3A_160 = arith.index_cast %get3A_159 : i32 to index
      %get3A_161 = arith.index_cast %mul3A_155 : i32 to index
      %get3A_162 = tpu.vector_load %arg4[%get3A_160, %get3A_161] {strides = array<i32>} : memref<4x2048xf32, #tpu.memory_space<vmem>>, vector<16xf32>,
      %eq3A = arith.cmpf oeq, %get3A_158, %broadcast_in_dim3A_23 : vector<16xf32>
      %select_n3A = arith.select %eq3A, %broadcast_in_dim3A_29, %broadcast_in_dim3A_26 : vector<16xi1>, vector<16xf32>
      %swap3A = arith.constant 0 : i32
      %swap3A_163 = arith.index_cast %swap3A : i32 to index
      %swap3A_164 = arith.index_cast %mul3A_155 : i32 to index
      %swap3A_165 = tpu.vector_load %arg5[%swap3A_163, %swap3A_164] {strides = array<i32>} : memref<4x2048xf32, #tpu.memory_space<vmem>>, vector<16xf32>,
      tpu.vector_store %arg5[%swap3A_163, %swap3A_164], %select_n3A {strides = array<i32>} : memref<4x2048xf32, #tpu.memory_space<vmem>>, vector<16xf32>,
      %eq3A_166 = arith.cmpf oeq, %get3A_162, %broadcast_in_dim3A_43 : vector<16xf32>
      %select_n3A_167 = arith.select %eq3A_166, %broadcast_in_dim3A_49, %broadcast_in_dim3A_46 : vector<16xi1>, vector<16xf32>
      %swap3A_168 = arith.constant 1 : i32
      %swap3A_169 = arith.index_cast %swap3A_168 : i32 to index
      %swap3A_170 = arith.index_cast %mul3A_155 : i32 to index
      %swap3A_171 = tpu.vector_load %arg5[%swap3A_169, %swap3A_170] {strides = array<i32>} : memref<4x2048xf32, #tpu.memory_space<vmem>>, vector<16xf32>,
      tpu.vector_store %arg5[%swap3A_169, %swap3A_170], %select_n3A_167 {strides = array<i32>} : memref<4x2048xf32, #tpu.memory_space<vmem>>, vector<16xf32>,
      %mul3A_172 = arith.constant 8 : i32
      %mul3A_173 = arith.muli %scan3A_148, %mul3A_172 : i32
      %add3A_174 = arith.constant 1 : i32
      %add3A_175 = arith.addi %mul3A_173, %add3A_174 : i32
      %mul3A_176 = arith.constant 16 : i32
      %mul3A_177 = arith.muli %add3A_175, %mul3A_176 : i32
      %get3A_178 = arith.constant 0 : i32
      %get3A_179 = arith.index_cast %get3A_178 : i32 to index
      %get3A_180 = arith.index_cast %mul3A_177 : i32 to index
      %get3A_181 = tpu.vector_load %arg4[%get3A_179, %get3A_180] {strides = array<i32>} : memref<4x2048xf32, #tpu.memory_space<vmem>>, vector<16xf32>,
      %get3A_182 = arith.constant 1 : i32
      %get3A_183 = arith.index_cast %get3A_182 : i32 to index
      %get3A_184 = arith.index_cast %mul3A_177 : i32 to index
      %get3A_185 = tpu.vector_load %arg4[%get3A_183, %get3A_184] {strides = array<i32>} : memref<4x2048xf32, #tpu.memory_space<vmem>>, vector<16xf32>,
      %eq3A_186 = arith.cmpf oeq, %get3A_181, %broadcast_in_dim3A_23 : vector<16xf32>
      %select_n3A_187 = arith.select %eq3A_186, %broadcast_in_dim3A_29, %broadcast_in_dim3A_26 : vector<16xi1>, vector<16xf32>
      %swap3A_188 = arith.constant 0 : i32
      %swap3A_189 = arith.index_cast %swap3A_188 : i32 to index
      %swap3A_190 = arith.index_cast %mul3A_177 : i32 to index
      %swap3A_191 = tpu.vector_load %arg5[%swap3A_189, %swap3A_190] {strides = array<i32>} : memref<4x2048xf32, #tpu.memory_space<vmem>>, vector<16xf32>,
      tpu.vector_store %arg5[%swap3A_189, %swap3A_190], %select_n3A_187 {strides = array<i32>} : memref<4x2048xf32, #tpu.memory_space<vmem>>, vector<16xf32>,
      %eq3A_192 = arith.cmpf oeq, %get3A_185, %broadcast_in_dim3A_43 : vector<16xf32>
      %select_n3A_193 = arith.select %eq3A_192, %broadcast_in_dim3A_49, %broadcast_in_dim3A_46 : vector<16xi1>, vector<16xf32>
      %swap3A_194 = arith.constant 1 : i32
      %swap3A_195 = arith.index_cast %swap3A_194 : i32 to index
      %swap3A_196 = arith.index_cast %mul3A_177 : i32 to index
      %swap3A_197 = tpu.vector_load %arg5[%swap3A_195, %swap3A_196] {strides = array<i32>} : memref<4x2048xf32, #tpu.memory_space<vmem>>, vector<16xf32>,
      tpu.vector_store %arg5[%swap3A_195, %swap3A_196], %select_n3A_193 {strides = array<i32>} : memref<4x2048xf32, #tpu.memory_space<vmem>>, vector<16xf32>,
      %mul3A_198 = arith.constant 8 : i32
      %mul3A_199 = arith.muli %scan3A_148, %mul3A_198 : i32
      %add3A_200 = arith.constant 2 : i32
      %add3A_201 = arith.addi %mul3A_199, %add3A_200 : i32
      %mul3A_202 = arith.constant 16 : i32
      %mul3A_203 = arith.muli %add3A_201, %mul3A_202 : i32
      %get3A_204 = arith.constant 0 : i32
      %get3A_205 = arith.index_cast %get3A_204 : i32 to index
      %get3A_206 = arith.index_cast %mul3A_203 : i32 to index
      %get3A_207 = tpu.vector_load %arg4[%get3A_205, %get3A_206] {strides = array<i32>} : memref<4x2048xf32, #tpu.memory_space<vmem>>, vector<16xf32>,
      %get3A_208 = arith.constant 1 : i32
      %get3A_209 = arith.index_cast %get3A_208 : i32 to index
      %get3A_210 = arith.index_cast %mul3A_203 : i32 to index
      %get3A_211 = tpu.vector_load %arg4[%get3A_209, %get3A_210] {strides = array<i32>} : memref<4x2048xf32, #tpu.memory_space<vmem>>, vector<16xf32>,
      %eq3A_212 = arith.cmpf oeq, %get3A_207, %broadcast_in_dim3A_23 : vector<16xf32>
      %select_n3A_213 = arith.select %eq3A_212, %broadcast_in_dim3A_29, %broadcast_in_dim3A_26 : vector<16xi1>, vector<16xf32>
      %swap3A_214 = arith.constant 0 : i32
      %swap3A_215 = arith.index_cast %swap3A_214 : i32 to index
      %swap3A_216 = arith.index_cast %mul3A_203 : i32 to index
      %swap3A_217 = tpu.vector_load %arg5[%swap3A_215, %swap3A_216] {strides = array<i32>} : memref<4x2048xf32, #tpu.memory_space<vmem>>, vector<16xf32>,
      tpu.vector_store %arg5[%swap3A_215, %swap3A_216], %select_n3A_213 {strides = array<i32>} : memref<4x2048xf32, #tpu.memory_space<vmem>>, vector<16xf32>,
      %eq3A_218 = arith.cmpf oeq, %get3A_211, %broadcast_in_dim3A_43 : vector<16xf32>
      %select_n3A_219 = arith.select %eq3A_218, %broadcast_in_dim3A_49, %broadcast_in_dim3A_46 : vector<16xi1>, vector<16xf32>
      %swap3A_220 = arith.constant 1 : i32
      %swap3A_221 = arith.index_cast %swap3A_220 : i32 to index
      %swap3A_222 = arith.index_cast %mul3A_203 : i32 to index
      %swap3A_223 = tpu.vector_load %arg5[%swap3A_221, %swap3A_222] {strides = array<i32>} : memref<4x2048xf32, #tpu.memory_space<vmem>>, vector<16xf32>,
      tpu.vector_store %arg5[%swap3A_221, %swap3A_222], %select_n3A_219 {strides = array<i32>} : memref<4x2048xf32, #tpu.memory_space<vmem>>, vector<16xf32>,
      %mul3A_224 = arith.constant 8 : i32
      %mul3A_225 = arith.muli %scan3A_148, %mul3A_224 : i32
      %add3A_226 = arith.constant 3 : i32
      %add3A_227 = arith.addi %mul3A_225, %add3A_226 : i32
      %mul3A_228 = arith.constant 16 : i32
      %mul3A_229 = arith.muli %add3A_227, %mul3A_228 : i32
      %get3A_230 = arith.constant 0 : i32
      %get3A_231 = arith.index_cast %get3A_230 : i32 to index
      %get3A_232 = arith.index_cast %mul3A_229 : i32 to index
      %get3A_233 = tpu.vector_load %arg4[%get3A_231, %get3A_232] {strides = array<i32>} : memref<4x2048xf32, #tpu.memory_space<vmem>>, vector<16xf32>,
      %get3A_234 = arith.constant 1 : i32
      %get3A_235 = arith.index_cast %get3A_234 : i32 to index
      %get3A_236 = arith.index_cast %mul3A_229 : i32 to index
      %get3A_237 = tpu.vector_load %arg4[%get3A_235, %get3A_236] {strides = array<i32>} : memref<4x2048xf32, #tpu.memory_space<vmem>>, vector<16xf32>,
      %eq3A_238 = arith.cmpf oeq, %get3A_233, %broadcast_in_dim3A_23 : vector<16xf32>
      %select_n3A_239 = arith.select %eq3A_238, %broadcast_in_dim3A_29, %broadcast_in_dim3A_26 : vector<16xi1>, vector<16xf32>
      %swap3A_240 = arith.constant 0 : i32
      %swap3A_241 = arith.index_cast %swap3A_240 : i32 to index
      %swap3A_242 = arith.index_cast %mul3A_229 : i32 to index
      %swap3A_243 = tpu.vector_load %arg5[%swap3A_241, %swap3A_242] {strides = array<i32>} : memref<4x2048xf32, #tpu.memory_space<vmem>>, vector<16xf32>,
      tpu.vector_store %arg5[%swap3A_241, %swap3A_242], %select_n3A_239 {strides = array<i32>} : memref<4x2048xf32, #tpu.memory_space<vmem>>, vector<16xf32>,
      %eq3A_244 = arith.cmpf oeq, %get3A_237, %broadcast_in_dim3A_43 : vector<16xf32>
      %select_n3A_245 = arith.select %eq3A_244, %broadcast_in_dim3A_49, %broadcast_in_dim3A_46 : vector<16xi1>, vector<16xf32>
      %swap3A_246 = arith.constant 1 : i32
      %swap3A_247 = arith.index_cast %swap3A_246 : i32 to index
      %swap3A_248 = arith.index_cast %mul3A_229 : i32 to index
      %swap3A_249 = tpu.vector_load %arg5[%swap3A_247, %swap3A_248] {strides = array<i32>} : memref<4x2048xf32, #tpu.memory_space<vmem>>, vector<16xf32>,
      tpu.vector_store %arg5[%swap3A_247, %swap3A_248], %select_n3A_245 {strides = array<i32>} : memref<4x2048xf32, #tpu.memory_space<vmem>>, vector<16xf32>,
      %mul3A_250 = arith.constant 8 : i32
      %mul3A_251 = arith.muli %scan3A_148, %mul3A_250 : i32
      %add3A_252 = arith.constant 4 : i32
      %add3A_253 = arith.addi %mul3A_251, %add3A_252 : i32
      %mul3A_254 = arith.constant 16 : i32
      %mul3A_255 = arith.muli %add3A_253, %mul3A_254 : i32
      %get3A_256 = arith.constant 0 : i32
      %get3A_257 = arith.index_cast %get3A_256 : i32 to index
      %get3A_258 = arith.index_cast %mul3A_255 : i32 to index
      %get3A_259 = tpu.vector_load %arg4[%get3A_257, %get3A_258] {strides = array<i32>} : memref<4x2048xf32, #tpu.memory_space<vmem>>, vector<16xf32>,
      %get3A_260 = arith.constant 1 : i32
      %get3A_261 = arith.index_cast %get3A_260 : i32 to index
      %get3A_262 = arith.index_cast %mul3A_255 : i32 to index
      %get3A_263 = tpu.vector_load %arg4[%get3A_261, %get3A_262] {strides = array<i32>} : memref<4x2048xf32, #tpu.memory_space<vmem>>, vector<16xf32>,
      %eq3A_264 = arith.cmpf oeq, %get3A_259, %broadcast_in_dim3A_23 : vector<16xf32>
      %select_n3A_265 = arith.select %eq3A_264, %broadcast_in_dim3A_29, %broadcast_in_dim3A_26 : vector<16xi1>, vector<16xf32>
      %swap3A_266 = arith.constant 0 : i32
      %swap3A_267 = arith.index_cast %swap3A_266 : i32 to index
      %swap3A_268 = arith.index_cast %mul3A_255 : i32 to index
      %swap3A_269 = tpu.vector_load %arg5[%swap3A_267, %swap3A_268] {strides = array<i32>} : memref<4x2048xf32, #tpu.memory_space<vmem>>, vector<16xf32>,
      tpu.vector_store %arg5[%swap3A_267, %swap3A_268], %select_n3A_265 {strides = array<i32>} : memref<4x2048xf32, #tpu.memory_space<vmem>>, vector<16xf32>,
      %eq3A_270 = arith.cmpf oeq, %get3A_263, %broadcast_in_dim3A_43 : vector<16xf32>
      %select_n3A_271 = arith.select %eq3A_270, %broadcast_in_dim3A_49, %broadcast_in_dim3A_46 : vector<16xi1>, vector<16xf32>
      %swap3A_272 = arith.constant 1 : i32
      %swap3A_273 = arith.index_cast %swap3A_272 : i32 to index
      %swap3A_274 = arith.index_cast %mul3A_255 : i32 to index
      %swap3A_275 = tpu.vector_load %arg5[%swap3A_273, %swap3A_274] {strides = array<i32>} : memref<4x2048xf32, #tpu.memory_space<vmem>>, vector<16xf32>,
      tpu.vector_store %arg5[%swap3A_273, %swap3A_274], %select_n3A_271 {strides = array<i32>} : memref<4x2048xf32, #tpu.memory_space<vmem>>, vector<16xf32>,
      %mul3A_276 = arith.constant 8 : i32
      %mul3A_277 = arith.muli %scan3A_148, %mul3A_276 : i32
      %add3A_278 = arith.constant 5 : i32
      %add3A_279 = arith.addi %mul3A_277, %add3A_278 : i32
      %mul3A_280 = arith.constant 16 : i32
      %mul3A_281 = arith.muli %add3A_279, %mul3A_280 : i32
      %get3A_282 = arith.constant 0 : i32
      %get3A_283 = arith.index_cast %get3A_282 : i32 to index
      %get3A_284 = arith.index_cast %mul3A_281 : i32 to index
      %get3A_285 = tpu.vector_load %arg4[%get3A_283, %get3A_284] {strides = array<i32>} : memref<4x2048xf32, #tpu.memory_space<vmem>>, vector<16xf32>,
      %get3A_286 = arith.constant 1 : i32
      %get3A_287 = arith.index_cast %get3A_286 : i32 to index
      %get3A_288 = arith.index_cast %mul3A_281 : i32 to index
      %get3A_289 = tpu.vector_load %arg4[%get3A_287, %get3A_288] {strides = array<i32>} : memref<4x2048xf32, #tpu.memory_space<vmem>>, vector<16xf32>,
      %eq3A_290 = arith.cmpf oeq, %get3A_285, %broadcast_in_dim3A_23 : vector<16xf32>
      %select_n3A_291 = arith.select %eq3A_290, %broadcast_in_dim3A_29, %broadcast_in_dim3A_26 : vector<16xi1>, vector<16xf32>
      %swap3A_292 = arith.constant 0 : i32
      %swap3A_293 = arith.index_cast %swap3A_292 : i32 to index
      %swap3A_294 = arith.index_cast %mul3A_281 : i32 to index
      %swap3A_295 = tpu.vector_load %arg5[%swap3A_293, %swap3A_294] {strides = array<i32>} : memref<4x2048xf32, #tpu.memory_space<vmem>>, vector<16xf32>,
      tpu.vector_store %arg5[%swap3A_293, %swap3A_294], %select_n3A_291 {strides = array<i32>} : memref<4x2048xf32, #tpu.memory_space<vmem>>, vector<16xf32>,
      %eq3A_296 = arith.cmpf oeq, %get3A_289, %broadcast_in_dim3A_43 : vector<16xf32>
      %select_n3A_297 = arith.select %eq3A_296, %broadcast_in_dim3A_49, %broadcast_in_dim3A_46 : vector<16xi1>, vector<16xf32>
      %swap3A_298 = arith.constant 1 : i32
      %swap3A_299 = arith.index_cast %swap3A_298 : i32 to index
      %swap3A_300 = arith.index_cast %mul3A_281 : i32 to index
      %swap3A_301 = tpu.vector_load %arg5[%swap3A_299, %swap3A_300] {strides = array<i32>} : memref<4x2048xf32, #tpu.memory_space<vmem>>, vector<16xf32>,
      tpu.vector_store %arg5[%swap3A_299, %swap3A_300], %select_n3A_297 {strides = array<i32>} : memref<4x2048xf32, #tpu.memory_space<vmem>>, vector<16xf32>,
      %mul3A_302 = arith.constant 8 : i32
      %mul3A_303 = arith.muli %scan3A_148, %mul3A_302 : i32
      %add3A_304 = arith.constant 6 : i32
      %add3A_305 = arith.addi %mul3A_303, %add3A_304 : i32
      %mul3A_306 = arith.constant 16 : i32
      %mul3A_307 = arith.muli %add3A_305, %mul3A_306 : i32
      %get3A_308 = arith.constant 0 : i32
      %get3A_309 = arith.index_cast %get3A_308 : i32 to index
      %get3A_310 = arith.index_cast %mul3A_307 : i32 to index
      %get3A_311 = tpu.vector_load %arg4[%get3A_309, %get3A_310] {strides = array<i32>} : memref<4x2048xf32, #tpu.memory_space<vmem>>, vector<16xf32>,
      %get3A_312 = arith.constant 1 : i32
      %get3A_313 = arith.index_cast %get3A_312 : i32 to index
      %get3A_314 = arith.index_cast %mul3A_307 : i32 to index
      %get3A_315 = tpu.vector_load %arg4[%get3A_313, %get3A_314] {strides = array<i32>} : memref<4x2048xf32, #tpu.memory_space<vmem>>, vector<16xf32>,
      %eq3A_316 = arith.cmpf oeq, %get3A_311, %broadcast_in_dim3A_23 : vector<16xf32>
      %select_n3A_317 = arith.select %eq3A_316, %broadcast_in_dim3A_29, %broadcast_in_dim3A_26 : vector<16xi1>, vector<16xf32>
      %swap3A_318 = arith.constant 0 : i32
      %swap3A_319 = arith.index_cast %swap3A_318 : i32 to index
      %swap3A_320 = arith.index_cast %mul3A_307 : i32 to index
      %swap3A_321 = tpu.vector_load %arg5[%swap3A_319, %swap3A_320] {strides = array<i32>} : memref<4x2048xf32, #tpu.memory_space<vmem>>, vector<16xf32>,
      tpu.vector_store %arg5[%swap3A_319, %swap3A_320], %select_n3A_317 {strides = array<i32>} : memref<4x2048xf32, #tpu.memory_space<vmem>>, vector<16xf32>,
      %eq3A_322 = arith.cmpf oeq, %get3A_315, %broadcast_in_dim3A_43 : vector<16xf32>
      %select_n3A_323 = arith.select %eq3A_322, %broadcast_in_dim3A_49, %broadcast_in_dim3A_46 : vector<16xi1>, vector<16xf32>
      %swap3A_324 = arith.constant 1 : i32
      %swap3A_325 = arith.index_cast %swap3A_324 : i32 to index
      %swap3A_326 = arith.index_cast %mul3A_307 : i32 to index
      %swap3A_327 = tpu.vector_load %arg5[%swap3A_325, %swap3A_326] {strides = array<i32>} : memref<4x2048xf32, #tpu.memory_space<vmem>>, vector<16xf32>,
      tpu.vector_store %arg5[%swap3A_325, %swap3A_326], %select_n3A_323 {strides = array<i32>} : memref<4x2048xf32, #tpu.memory_space<vmem>>, vector<16xf32>,
      %mul3A_328 = arith.constant 8 : i32
      %mul3A_329 = arith.muli %scan3A_148, %mul3A_328 : i32
      %add3A_330 = arith.constant 7 : i32
      %add3A_331 = arith.addi %mul3A_329, %add3A_330 : i32
      %mul3A_332 = arith.constant 16 : i32
      %mul3A_333 = arith.muli %add3A_331, %mul3A_332 : i32
      %get3A_334 = arith.constant 0 : i32
      %get3A_335 = arith.index_cast %get3A_334 : i32 to index
      %get3A_336 = arith.index_cast %mul3A_333 : i32 to index
      %get3A_337 = tpu.vector_load %arg4[%get3A_335, %get3A_336] {strides = array<i32>} : memref<4x2048xf32, #tpu.memory_space<vmem>>, vector<16xf32>,
      %get3A_338 = arith.constant 1 : i32
      %get3A_339 = arith.index_cast %get3A_338 : i32 to index
      %get3A_340 = arith.index_cast %mul3A_333 : i32 to index
      %get3A_341 = tpu.vector_load %arg4[%get3A_339, %get3A_340] {strides = array<i32>} : memref<4x2048xf32, #tpu.memory_space<vmem>>, vector<16xf32>,
      %eq3A_342 = arith.cmpf oeq, %get3A_337, %broadcast_in_dim3A_23 : vector<16xf32>
      %select_n3A_343 = arith.select %eq3A_342, %broadcast_in_dim3A_29, %broadcast_in_dim3A_26 : vector<16xi1>, vector<16xf32>
      %swap3A_344 = arith.constant 0 : i32
      %swap3A_345 = arith.index_cast %swap3A_344 : i32 to index
      %swap3A_346 = arith.index_cast %mul3A_333 : i32 to index
      %swap3A_347 = tpu.vector_load %arg5[%swap3A_345, %swap3A_346] {strides = array<i32>} : memref<4x2048xf32, #tpu.memory_space<vmem>>, vector<16xf32>,
      tpu.vector_store %arg5[%swap3A_345, %swap3A_346], %select_n3A_343 {strides = array<i32>} : memref<4x2048xf32, #tpu.memory_space<vmem>>, vector<16xf32>,
      %eq3A_348 = arith.cmpf oeq, %get3A_341, %broadcast_in_dim3A_43 : vector<16xf32>
      %select_n3A_349 = arith.select %eq3A_348, %broadcast_in_dim3A_49, %broadcast_in_dim3A_46 : vector<16xi1>, vector<16xf32>
      %swap3A_350 = arith.constant 1 : i32
      %swap3A_351 = arith.index_cast %swap3A_350 : i32 to index
      %swap3A_352 = arith.index_cast %mul3A_333 : i32 to index
      %swap3A_353 = tpu.vector_load %arg5[%swap3A_351, %swap3A_352] {strides = array<i32>} : memref<4x2048xf32, #tpu.memory_space<vmem>>, vector<16xf32>,
      tpu.vector_store %arg5[%swap3A_351, %swap3A_352], %select_n3A_349 {strides = array<i32>} : memref<4x2048xf32, #tpu.memory_space<vmem>>, vector<16xf32>,
      %scan3A_354 = arith.constant 0 : i32
      scf.yield %scan3A_354 : i32
    }
    %scan3A_96 = arith.constant 16 : i32
    %add3A_97 = arith.constant 0 : i32
    %add3A_98 = arith.addi %mul3A_2, %add3A_97 : i32
    %dma_start3A_99 = arith.constant 0 : i32
    %dma_start3A_100 = arith.constant 0 : i32
    %dma_start3A_101 = tpu.memref_slice %arg5[%dma_start3A_99, %dma_start3A_100] : memref<4x2048xf32, #tpu.memory_space<vmem>> -> memref<2x2048xf32, #tpu.memory_space<vmem>>
    %dma_start3A_102 = arith.constant 0 : i32
    %dma_start3A_103 = tpu.memref_slice %arg3[%add3A_98, %dma_start3A_102] : memref<128x2048xf32, #tpu.memory_space<hbm>> -> memref<2x2048xf32, #tpu.memory_space<hbm>>
    %dma_start3A_104 = arith.constant 0 : i32
    %dma_start3A_105 = tpu.memref_slice %arg3[%add3A_98, %dma_start3A_104] : memref<128x2048xf32, #tpu.memory_space<hbm>> -> memref<2x2048xf32, #tpu.memory_space<hbm>>
    %dma_start3A_106 = arith.constant 0 : i32
    %dma_start3A_107 = arith.constant 0 : i32
    %dma_start3A_108 = tpu.memref_slice %arg5[%dma_start3A_106, %dma_start3A_107] : memref<4x2048xf32, #tpu.memory_space<vmem>> -> memref<2x2048xf32, #tpu.memory_space<vmem>>
    tpu.enqueue_dma source(%dma_start3A_108 : memref<2x2048xf32, #tpu.memory_space<vmem>>) target(%dma_start3A_105 : memref<2x2048xf32, #tpu.memory_space<hbm>>) target_semaphore(%arg7 : memref<!tpu.dma_semaphore, #tpu.memory_space<semaphore_mem>>)
    %scan3A_109 = arith.constant 0 : i32
    %scan3A_110 = arith.constant 0 : i32
    %scan3A_111 = arith.constant 16 : i32
    %scan3A_112 = arith.addi %scan3A_110, %scan3A_111 : i32
    %scan3A_113 = arith.constant 1 : i32
    %scan3A_114 = scf.for %scan3A_148 = %scan3A_110 to %scan3A_112 step %scan3A_113 iter_args(%scan3A_149 = %scan3A_109) -> (i32)  : i32 {
      %mul3A_150 = arith.constant 8 : i32
      %mul3A_151 = arith.muli %scan3A_148, %mul3A_150 : i32
      %add3A_152 = arith.constant 0 : i32
      %add3A_153 = arith.addi %mul3A_151, %add3A_152 : i32
      %mul3A_154 = arith.constant 16 : i32
      %mul3A_155 = arith.muli %add3A_153, %mul3A_154 : i32
      %get3A = arith.constant 2 : i32
      %get3A_156 = arith.index_cast %get3A : i32 to index
      %get3A_157 = arith.index_cast %mul3A_155 : i32 to index
      %get3A_158 = tpu.vector_load %arg4[%get3A_156, %get3A_157] {strides = array<i32>} : memref<4x2048xf32, #tpu.memory_space<vmem>>, vector<16xf32>,
      %get3A_159 = arith.constant 3 : i32
      %get3A_160 = arith.index_cast %get3A_159 : i32 to index
      %get3A_161 = arith.index_cast %mul3A_155 : i32 to index
      %get3A_162 = tpu.vector_load %arg4[%get3A_160, %get3A_161] {strides = array<i32>} : memref<4x2048xf32, #tpu.memory_space<vmem>>, vector<16xf32>,
      %eq3A = arith.cmpf oeq, %get3A_158, %broadcast_in_dim3A_63 : vector<16xf32>
      %select_n3A = arith.select %eq3A, %broadcast_in_dim3A_69, %broadcast_in_dim3A_66 : vector<16xi1>, vector<16xf32>
      %swap3A = arith.constant 2 : i32
      %swap3A_163 = arith.index_cast %swap3A : i32 to index
      %swap3A_164 = arith.index_cast %mul3A_155 : i32 to index
      %swap3A_165 = tpu.vector_load %arg5[%swap3A_163, %swap3A_164] {strides = array<i32>} : memref<4x2048xf32, #tpu.memory_space<vmem>>, vector<16xf32>,
      tpu.vector_store %arg5[%swap3A_163, %swap3A_164], %select_n3A {strides = array<i32>} : memref<4x2048xf32, #tpu.memory_space<vmem>>, vector<16xf32>,
      %eq3A_166 = arith.cmpf oeq, %get3A_162, %broadcast_in_dim3A_83 : vector<16xf32>
      %select_n3A_167 = arith.select %eq3A_166, %broadcast_in_dim3A_89, %broadcast_in_dim3A_86 : vector<16xi1>, vector<16xf32>
      %swap3A_168 = arith.constant 3 : i32
      %swap3A_169 = arith.index_cast %swap3A_168 : i32 to index
      %swap3A_170 = arith.index_cast %mul3A_155 : i32 to index
      %swap3A_171 = tpu.vector_load %arg5[%swap3A_169, %swap3A_170] {strides = array<i32>} : memref<4x2048xf32, #tpu.memory_space<vmem>>, vector<16xf32>,
      tpu.vector_store %arg5[%swap3A_169, %swap3A_170], %select_n3A_167 {strides = array<i32>} : memref<4x2048xf32, #tpu.memory_space<vmem>>, vector<16xf32>,
      %mul3A_172 = arith.constant 8 : i32
      %mul3A_173 = arith.muli %scan3A_148, %mul3A_172 : i32
      %add3A_174 = arith.constant 1 : i32
      %add3A_175 = arith.addi %mul3A_173, %add3A_174 : i32
      %mul3A_176 = arith.constant 16 : i32
      %mul3A_177 = arith.muli %add3A_175, %mul3A_176 : i32
      %get3A_178 = arith.constant 2 : i32
      %get3A_179 = arith.index_cast %get3A_178 : i32 to index
      %get3A_180 = arith.index_cast %mul3A_177 : i32 to index
      %get3A_181 = tpu.vector_load %arg4[%get3A_179, %get3A_180] {strides = array<i32>} : memref<4x2048xf32, #tpu.memory_space<vmem>>, vector<16xf32>,
      %get3A_182 = arith.constant 3 : i32
      %get3A_183 = arith.index_cast %get3A_182 : i32 to index
      %get3A_184 = arith.index_cast %mul3A_177 : i32 to index
      %get3A_185 = tpu.vector_load %arg4[%get3A_183, %get3A_184] {strides = array<i32>} : memref<4x2048xf32, #tpu.memory_space<vmem>>, vector<16xf32>,
      %eq3A_186 = arith.cmpf oeq, %get3A_181, %broadcast_in_dim3A_63 : vector<16xf32>
      %select_n3A_187 = arith.select %eq3A_186, %broadcast_in_dim3A_69, %broadcast_in_dim3A_66 : vector<16xi1>, vector<16xf32>
      %swap3A_188 = arith.constant 2 : i32
      %swap3A_189 = arith.index_cast %swap3A_188 : i32 to index
      %swap3A_190 = arith.index_cast %mul3A_177 : i32 to index
      %swap3A_191 = tpu.vector_load %arg5[%swap3A_189, %swap3A_190] {strides = array<i32>} : memref<4x2048xf32, #tpu.memory_space<vmem>>, vector<16xf32>,
      tpu.vector_store %arg5[%swap3A_189, %swap3A_190], %select_n3A_187 {strides = array<i32>} : memref<4x2048xf32, #tpu.memory_space<vmem>>, vector<16xf32>,
      %eq3A_192 = arith.cmpf oeq, %get3A_185, %broadcast_in_dim3A_83 : vector<16xf32>
      %select_n3A_193 = arith.select %eq3A_192, %broadcast_in_dim3A_89, %broadcast_in_dim3A_86 : vector<16xi1>, vector<16xf32>
      %swap3A_194 = arith.constant 3 : i32
      %swap3A_195 = arith.index_cast %swap3A_194 : i32 to index
      %swap3A_196 = arith.index_cast %mul3A_177 : i32 to index
      %swap3A_197 = tpu.vector_load %arg5[%swap3A_195, %swap3A_196] {strides = array<i32>} : memref<4x2048xf32, #tpu.memory_space<vmem>>, vector<16xf32>,
      tpu.vector_store %arg5[%swap3A_195, %swap3A_196], %select_n3A_193 {strides = array<i32>} : memref<4x2048xf32, #tpu.memory_space<vmem>>, vector<16xf32>,
      %mul3A_198 = arith.constant 8 : i32
      %mul3A_199 = arith.muli %scan3A_148, %mul3A_198 : i32
      %add3A_200 = arith.constant 2 : i32
      %add3A_201 = arith.addi %mul3A_199, %add3A_200 : i32
      %mul3A_202 = arith.constant 16 : i32
      %mul3A_203 = arith.muli %add3A_201, %mul3A_202 : i32
      %get3A_204 = arith.constant 2 : i32
      %get3A_205 = arith.index_cast %get3A_204 : i32 to index
      %get3A_206 = arith.index_cast %mul3A_203 : i32 to index
      %get3A_207 = tpu.vector_load %arg4[%get3A_205, %get3A_206] {strides = array<i32>} : memref<4x2048xf32, #tpu.memory_space<vmem>>, vector<16xf32>,
      %get3A_208 = arith.constant 3 : i32
      %get3A_209 = arith.index_cast %get3A_208 : i32 to index
      %get3A_210 = arith.index_cast %mul3A_203 : i32 to index
      %get3A_211 = tpu.vector_load %arg4[%get3A_209, %get3A_210] {strides = array<i32>} : memref<4x2048xf32, #tpu.memory_space<vmem>>, vector<16xf32>,
      %eq3A_212 = arith.cmpf oeq, %get3A_207, %broadcast_in_dim3A_63 : vector<16xf32>
      %select_n3A_213 = arith.select %eq3A_212, %broadcast_in_dim3A_69, %broadcast_in_dim3A_66 : vector<16xi1>, vector<16xf32>
      %swap3A_214 = arith.constant 2 : i32
      %swap3A_215 = arith.index_cast %swap3A_214 : i32 to index
      %swap3A_216 = arith.index_cast %mul3A_203 : i32 to index
      %swap3A_217 = tpu.vector_load %arg5[%swap3A_215, %swap3A_216] {strides = array<i32>} : memref<4x2048xf32, #tpu.memory_space<vmem>>, vector<16xf32>,
      tpu.vector_store %arg5[%swap3A_215, %swap3A_216], %select_n3A_213 {strides = array<i32>} : memref<4x2048xf32, #tpu.memory_space<vmem>>, vector<16xf32>,
      %eq3A_218 = arith.cmpf oeq, %get3A_211, %broadcast_in_dim3A_83 : vector<16xf32>
      %select_n3A_219 = arith.select %eq3A_218, %broadcast_in_dim3A_89, %broadcast_in_dim3A_86 : vector<16xi1>, vector<16xf32>
      %swap3A_220 = arith.constant 3 : i32
      %swap3A_221 = arith.index_cast %swap3A_220 : i32 to index
      %swap3A_222 = arith.index_cast %mul3A_203 : i32 to index
      %swap3A_223 = tpu.vector_load %arg5[%swap3A_221, %swap3A_222] {strides = array<i32>} : memref<4x2048xf32, #tpu.memory_space<vmem>>, vector<16xf32>,
      tpu.vector_store %arg5[%swap3A_221, %swap3A_222], %select_n3A_219 {strides = array<i32>} : memref<4x2048xf32, #tpu.memory_space<vmem>>, vector<16xf32>,
      %mul3A_224 = arith.constant 8 : i32
      %mul3A_225 = arith.muli %scan3A_148, %mul3A_224 : i32
      %add3A_226 = arith.constant 3 : i32
      %add3A_227 = arith.addi %mul3A_225, %add3A_226 : i32
      %mul3A_228 = arith.constant 16 : i32
      %mul3A_229 = arith.muli %add3A_227, %mul3A_228 : i32
      %get3A_230 = arith.constant 2 : i32
      %get3A_231 = arith.index_cast %get3A_230 : i32 to index
      %get3A_232 = arith.index_cast %mul3A_229 : i32 to index
      %get3A_233 = tpu.vector_load %arg4[%get3A_231, %get3A_232] {strides = array<i32>} : memref<4x2048xf32, #tpu.memory_space<vmem>>, vector<16xf32>,
      %get3A_234 = arith.constant 3 : i32
      %get3A_235 = arith.index_cast %get3A_234 : i32 to index
      %get3A_236 = arith.index_cast %mul3A_229 : i32 to index
      %get3A_237 = tpu.vector_load %arg4[%get3A_235, %get3A_236] {strides = array<i32>} : memref<4x2048xf32, #tpu.memory_space<vmem>>, vector<16xf32>,
      %eq3A_238 = arith.cmpf oeq, %get3A_233, %broadcast_in_dim3A_63 : vector<16xf32>
      %select_n3A_239 = arith.select %eq3A_238, %broadcast_in_dim3A_69, %broadcast_in_dim3A_66 : vector<16xi1>, vector<16xf32>
      %swap3A_240 = arith.constant 2 : i32
      %swap3A_241 = arith.index_cast %swap3A_240 : i32 to index
      %swap3A_242 = arith.index_cast %mul3A_229 : i32 to index
      %swap3A_243 = tpu.vector_load %arg5[%swap3A_241, %swap3A_242] {strides = array<i32>} : memref<4x2048xf32, #tpu.memory_space<vmem>>, vector<16xf32>,
      tpu.vector_store %arg5[%swap3A_241, %swap3A_242], %select_n3A_239 {strides = array<i32>} : memref<4x2048xf32, #tpu.memory_space<vmem>>, vector<16xf32>,
      %eq3A_244 = arith.cmpf oeq, %get3A_237, %broadcast_in_dim3A_83 : vector<16xf32>
      %select_n3A_245 = arith.select %eq3A_244, %broadcast_in_dim3A_89, %broadcast_in_dim3A_86 : vector<16xi1>, vector<16xf32>
      %swap3A_246 = arith.constant 3 : i32
      %swap3A_247 = arith.index_cast %swap3A_246 : i32 to index
      %swap3A_248 = arith.index_cast %mul3A_229 : i32 to index
      %swap3A_249 = tpu.vector_load %arg5[%swap3A_247, %swap3A_248] {strides = array<i32>} : memref<4x2048xf32, #tpu.memory_space<vmem>>, vector<16xf32>,
      tpu.vector_store %arg5[%swap3A_247, %swap3A_248], %select_n3A_245 {strides = array<i32>} : memref<4x2048xf32, #tpu.memory_space<vmem>>, vector<16xf32>,
      %mul3A_250 = arith.constant 8 : i32
      %mul3A_251 = arith.muli %scan3A_148, %mul3A_250 : i32
      %add3A_252 = arith.constant 4 : i32
      %add3A_253 = arith.addi %mul3A_251, %add3A_252 : i32
      %mul3A_254 = arith.constant 16 : i32
      %mul3A_255 = arith.muli %add3A_253, %mul3A_254 : i32
      %get3A_256 = arith.constant 2 : i32
      %get3A_257 = arith.index_cast %get3A_256 : i32 to index
      %get3A_258 = arith.index_cast %mul3A_255 : i32 to index
      %get3A_259 = tpu.vector_load %arg4[%get3A_257, %get3A_258] {strides = array<i32>} : memref<4x2048xf32, #tpu.memory_space<vmem>>, vector<16xf32>,
      %get3A_260 = arith.constant 3 : i32
      %get3A_261 = arith.index_cast %get3A_260 : i32 to index
      %get3A_262 = arith.index_cast %mul3A_255 : i32 to index
      %get3A_263 = tpu.vector_load %arg4[%get3A_261, %get3A_262] {strides = array<i32>} : memref<4x2048xf32, #tpu.memory_space<vmem>>, vector<16xf32>,
      %eq3A_264 = arith.cmpf oeq, %get3A_259, %broadcast_in_dim3A_63 : vector<16xf32>
      %select_n3A_265 = arith.select %eq3A_264, %broadcast_in_dim3A_69, %broadcast_in_dim3A_66 : vector<16xi1>, vector<16xf32>
      %swap3A_266 = arith.constant 2 : i32
      %swap3A_267 = arith.index_cast %swap3A_266 : i32 to index
      %swap3A_268 = arith.index_cast %mul3A_255 : i32 to index
      %swap3A_269 = tpu.vector_load %arg5[%swap3A_267, %swap3A_268] {strides = array<i32>} : memref<4x2048xf32, #tpu.memory_space<vmem>>, vector<16xf32>,
      tpu.vector_store %arg5[%swap3A_267, %swap3A_268], %select_n3A_265 {strides = array<i32>} : memref<4x2048xf32, #tpu.memory_space<vmem>>, vector<16xf32>,
      %eq3A_270 = arith.cmpf oeq, %get3A_263, %broadcast_in_dim3A_83 : vector<16xf32>
      %select_n3A_271 = arith.select %eq3A_270, %broadcast_in_dim3A_89, %broadcast_in_dim3A_86 : vector<16xi1>, vector<16xf32>
      %swap3A_272 = arith.constant 3 : i32
      %swap3A_273 = arith.index_cast %swap3A_272 : i32 to index
      %swap3A_274 = arith.index_cast %mul3A_255 : i32 to index
      %swap3A_275 = tpu.vector_load %arg5[%swap3A_273, %swap3A_274] {strides = array<i32>} : memref<4x2048xf32, #tpu.memory_space<vmem>>, vector<16xf32>,
      tpu.vector_store %arg5[%swap3A_273, %swap3A_274], %select_n3A_271 {strides = array<i32>} : memref<4x2048xf32, #tpu.memory_space<vmem>>, vector<16xf32>,
      %mul3A_276 = arith.constant 8 : i32
      %mul3A_277 = arith.muli %scan3A_148, %mul3A_276 : i32
      %add3A_278 = arith.constant 5 : i32
      %add3A_279 = arith.addi %mul3A_277, %add3A_278 : i32
      %mul3A_280 = arith.constant 16 : i32
      %mul3A_281 = arith.muli %add3A_279, %mul3A_280 : i32
      %get3A_282 = arith.constant 2 : i32
      %get3A_283 = arith.index_cast %get3A_282 : i32 to index
      %get3A_284 = arith.index_cast %mul3A_281 : i32 to index
      %get3A_285 = tpu.vector_load %arg4[%get3A_283, %get3A_284] {strides = array<i32>} : memref<4x2048xf32, #tpu.memory_space<vmem>>, vector<16xf32>,
      %get3A_286 = arith.constant 3 : i32
      %get3A_287 = arith.index_cast %get3A_286 : i32 to index
      %get3A_288 = arith.index_cast %mul3A_281 : i32 to index
      %get3A_289 = tpu.vector_load %arg4[%get3A_287, %get3A_288] {strides = array<i32>} : memref<4x2048xf32, #tpu.memory_space<vmem>>, vector<16xf32>,
      %eq3A_290 = arith.cmpf oeq, %get3A_285, %broadcast_in_dim3A_63 : vector<16xf32>
      %select_n3A_291 = arith.select %eq3A_290, %broadcast_in_dim3A_69, %broadcast_in_dim3A_66 : vector<16xi1>, vector<16xf32>
      %swap3A_292 = arith.constant 2 : i32
      %swap3A_293 = arith.index_cast %swap3A_292 : i32 to index
      %swap3A_294 = arith.index_cast %mul3A_281 : i32 to index
      %swap3A_295 = tpu.vector_load %arg5[%swap3A_293, %swap3A_294] {strides = array<i32>} : memref<4x2048xf32, #tpu.memory_space<vmem>>, vector<16xf32>,
      tpu.vector_store %arg5[%swap3A_293, %swap3A_294], %select_n3A_291 {strides = array<i32>} : memref<4x2048xf32, #tpu.memory_space<vmem>>, vector<16xf32>,
      %eq3A_296 = arith.cmpf oeq, %get3A_289, %broadcast_in_dim3A_83 : vector<16xf32>
      %select_n3A_297 = arith.select %eq3A_296, %broadcast_in_dim3A_89, %broadcast_in_dim3A_86 : vector<16xi1>, vector<16xf32>
      %swap3A_298 = arith.constant 3 : i32
      %swap3A_299 = arith.index_cast %swap3A_298 : i32 to index
      %swap3A_300 = arith.index_cast %mul3A_281 : i32 to index
      %swap3A_301 = tpu.vector_load %arg5[%swap3A_299, %swap3A_300] {strides = array<i32>} : memref<4x2048xf32, #tpu.memory_space<vmem>>, vector<16xf32>,
      tpu.vector_store %arg5[%swap3A_299, %swap3A_300], %select_n3A_297 {strides = array<i32>} : memref<4x2048xf32, #tpu.memory_space<vmem>>, vector<16xf32>,
      %mul3A_302 = arith.constant 8 : i32
      %mul3A_303 = arith.muli %scan3A_148, %mul3A_302 : i32
      %add3A_304 = arith.constant 6 : i32
      %add3A_305 = arith.addi %mul3A_303, %add3A_304 : i32
      %mul3A_306 = arith.constant 16 : i32
      %mul3A_307 = arith.muli %add3A_305, %mul3A_306 : i32
      %get3A_308 = arith.constant 2 : i32
      %get3A_309 = arith.index_cast %get3A_308 : i32 to index
      %get3A_310 = arith.index_cast %mul3A_307 : i32 to index
      %get3A_311 = tpu.vector_load %arg4[%get3A_309, %get3A_310] {strides = array<i32>} : memref<4x2048xf32, #tpu.memory_space<vmem>>, vector<16xf32>,
      %get3A_312 = arith.constant 3 : i32
      %get3A_313 = arith.index_cast %get3A_312 : i32 to index
      %get3A_314 = arith.index_cast %mul3A_307 : i32 to index
      %get3A_315 = tpu.vector_load %arg4[%get3A_313, %get3A_314] {strides = array<i32>} : memref<4x2048xf32, #tpu.memory_space<vmem>>, vector<16xf32>,
      %eq3A_316 = arith.cmpf oeq, %get3A_311, %broadcast_in_dim3A_63 : vector<16xf32>
      %select_n3A_317 = arith.select %eq3A_316, %broadcast_in_dim3A_69, %broadcast_in_dim3A_66 : vector<16xi1>, vector<16xf32>
      %swap3A_318 = arith.constant 2 : i32
      %swap3A_319 = arith.index_cast %swap3A_318 : i32 to index
      %swap3A_320 = arith.index_cast %mul3A_307 : i32 to index
      %swap3A_321 = tpu.vector_load %arg5[%swap3A_319, %swap3A_320] {strides = array<i32>} : memref<4x2048xf32, #tpu.memory_space<vmem>>, vector<16xf32>,
      tpu.vector_store %arg5[%swap3A_319, %swap3A_320], %select_n3A_317 {strides = array<i32>} : memref<4x2048xf32, #tpu.memory_space<vmem>>, vector<16xf32>,
      %eq3A_322 = arith.cmpf oeq, %get3A_315, %broadcast_in_dim3A_83 : vector<16xf32>
      %select_n3A_323 = arith.select %eq3A_322, %broadcast_in_dim3A_89, %broadcast_in_dim3A_86 : vector<16xi1>, vector<16xf32>
      %swap3A_324 = arith.constant 3 : i32
      %swap3A_325 = arith.index_cast %swap3A_324 : i32 to index
      %swap3A_326 = arith.index_cast %mul3A_307 : i32 to index
      %swap3A_327 = tpu.vector_load %arg5[%swap3A_325, %swap3A_326] {strides = array<i32>} : memref<4x2048xf32, #tpu.memory_space<vmem>>, vector<16xf32>,
      tpu.vector_store %arg5[%swap3A_325, %swap3A_326], %select_n3A_323 {strides = array<i32>} : memref<4x2048xf32, #tpu.memory_space<vmem>>, vector<16xf32>,
      %mul3A_328 = arith.constant 8 : i32
      %mul3A_329 = arith.muli %scan3A_148, %mul3A_328 : i32
      %add3A_330 = arith.constant 7 : i32
      %add3A_331 = arith.addi %mul3A_329, %add3A_330 : i32
      %mul3A_332 = arith.constant 16 : i32
      %mul3A_333 = arith.muli %add3A_331, %mul3A_332 : i32
      %get3A_334 = arith.constant 2 : i32
      %get3A_335 = arith.index_cast %get3A_334 : i32 to index
      %get3A_336 = arith.index_cast %mul3A_333 : i32 to index
      %get3A_337 = tpu.vector_load %arg4[%get3A_335, %get3A_336] {strides = array<i32>} : memref<4x2048xf32, #tpu.memory_space<vmem>>, vector<16xf32>,
      %get3A_338 = arith.constant 3 : i32
      %get3A_339 = arith.index_cast %get3A_338 : i32 to index
      %get3A_340 = arith.index_cast %mul3A_333 : i32 to index
      %get3A_341 = tpu.vector_load %arg4[%get3A_339, %get3A_340] {strides = array<i32>} : memref<4x2048xf32, #tpu.memory_space<vmem>>, vector<16xf32>,
      %eq3A_342 = arith.cmpf oeq, %get3A_337, %broadcast_in_dim3A_63 : vector<16xf32>
      %select_n3A_343 = arith.select %eq3A_342, %broadcast_in_dim3A_69, %broadcast_in_dim3A_66 : vector<16xi1>, vector<16xf32>
      %swap3A_344 = arith.constant 2 : i32
      %swap3A_345 = arith.index_cast %swap3A_344 : i32 to index
      %swap3A_346 = arith.index_cast %mul3A_333 : i32 to index
      %swap3A_347 = tpu.vector_load %arg5[%swap3A_345, %swap3A_346] {strides = array<i32>} : memref<4x2048xf32, #tpu.memory_space<vmem>>, vector<16xf32>,
      tpu.vector_store %arg5[%swap3A_345, %swap3A_346], %select_n3A_343 {strides = array<i32>} : memref<4x2048xf32, #tpu.memory_space<vmem>>, vector<16xf32>,
      %eq3A_348 = arith.cmpf oeq, %get3A_341, %broadcast_in_dim3A_83 : vector<16xf32>
      %select_n3A_349 = arith.select %eq3A_348, %broadcast_in_dim3A_89, %broadcast_in_dim3A_86 : vector<16xi1>, vector<16xf32>
      %swap3A_350 = arith.constant 3 : i32
      %swap3A_351 = arith.index_cast %swap3A_350 : i32 to index
      %swap3A_352 = arith.index_cast %mul3A_333 : i32 to index
      %swap3A_353 = tpu.vector_load %arg5[%swap3A_351, %swap3A_352] {strides = array<i32>} : memref<4x2048xf32, #tpu.memory_space<vmem>>, vector<16xf32>,
      tpu.vector_store %arg5[%swap3A_351, %swap3A_352], %select_n3A_349 {strides = array<i32>} : memref<4x2048xf32, #tpu.memory_space<vmem>>, vector<16xf32>,
      %scan3A_354 = arith.constant 0 : i32
      scf.yield %scan3A_354 : i32
    }
    %scan3A_115 = arith.constant 16 : i32
    %add3A_116 = arith.constant 2 : i32
    %add3A_117 = arith.addi %mul3A_2, %add3A_116 : i32
    %dma_start3A_118 = arith.constant 2 : i32
    %dma_start3A_119 = arith.constant 0 : i32
    %dma_start3A_120 = tpu.memref_slice %arg5[%dma_start3A_118, %dma_start3A_119] : memref<4x2048xf32, #tpu.memory_space<vmem>> -> memref<2x2048xf32, #tpu.memory_space<vmem>>
    %dma_start3A_121 = arith.constant 0 : i32
    %dma_start3A_122 = tpu.memref_slice %arg3[%add3A_117, %dma_start3A_121] : memref<128x2048xf32, #tpu.memory_space<hbm>> -> memref<2x2048xf32, #tpu.memory_space<hbm>>
    %dma_start3A_123 = arith.constant 0 : i32
    %dma_start3A_124 = tpu.memref_slice %arg3[%add3A_117, %dma_start3A_123] : memref<128x2048xf32, #tpu.memory_space<hbm>> -> memref<2x2048xf32, #tpu.memory_space<hbm>>
    %dma_start3A_125 = arith.constant 2 : i32
    %dma_start3A_126 = arith.constant 0 : i32
    %dma_start3A_127 = tpu.memref_slice %arg5[%dma_start3A_125, %dma_start3A_126] : memref<4x2048xf32, #tpu.memory_space<vmem>> -> memref<2x2048xf32, #tpu.memory_space<vmem>>
    tpu.enqueue_dma source(%dma_start3A_127 : memref<2x2048xf32, #tpu.memory_space<vmem>>) target(%dma_start3A_124 : memref<2x2048xf32, #tpu.memory_space<hbm>>) target_semaphore(%arg7 : memref<!tpu.dma_semaphore, #tpu.memory_space<semaphore_mem>>)
    %dma_wait3A_128 = arith.constant 0 : i32
    %dma_wait3A_129 = arith.constant 0 : i32
    %dma_wait3A_130 = tpu.memref_slice %arg5[%dma_wait3A_128, %dma_wait3A_129] : memref<4x2048xf32, #tpu.memory_space<vmem>> -> memref<2x2048xf32, #tpu.memory_space<vmem>>
    %dma_wait3A_131 = arith.constant 0 : i32
    %dma_wait3A_132 = tpu.memref_slice %arg3[%add3A_98, %dma_wait3A_131] : memref<128x2048xf32, #tpu.memory_space<hbm>> -> memref<2x2048xf32, #tpu.memory_space<hbm>>
    %dma_wait3A_133 = arith.constant 0 : i32
    %dma_wait3A_134 = tpu.memref_slice %arg3[%add3A_98, %dma_wait3A_133] : memref<128x2048xf32, #tpu.memory_space<hbm>> -> memref<2x2048xf32, #tpu.memory_space<hbm>>
    %dma_wait3A_135 = arith.constant 0 : i32
    %dma_wait3A_136 = arith.constant 0 : i32
    %dma_wait3A_137 = tpu.memref_slice %arg5[%dma_wait3A_135, %dma_wait3A_136] : memref<4x2048xf32, #tpu.memory_space<vmem>> -> memref<2x2048xf32, #tpu.memory_space<vmem>>
    tpu.wait_dma2 semaphore(%arg7 : memref<!tpu.dma_semaphore, #tpu.memory_space<semaphore_mem>>) src(%dma_wait3A_137 : memref<2x2048xf32, #tpu.memory_space<vmem>>) dst(%dma_wait3A_134 : memref<2x2048xf32, #tpu.memory_space<hbm>>)
    %dma_wait3A_138 = arith.constant 2 : i32
    %dma_wait3A_139 = arith.constant 0 : i32
    %dma_wait3A_140 = tpu.memref_slice %arg5[%dma_wait3A_138, %dma_wait3A_139] : memref<4x2048xf32, #tpu.memory_space<vmem>> -> memref<2x2048xf32, #tpu.memory_space<vmem>>
    %dma_wait3A_141 = arith.constant 0 : i32
    %dma_wait3A_142 = tpu.memref_slice %arg3[%add3A_117, %dma_wait3A_141] : memref<128x2048xf32, #tpu.memory_space<hbm>> -> memref<2x2048xf32, #tpu.memory_space<hbm>>
    %dma_wait3A_143 = arith.constant 0 : i32
    %dma_wait3A_144 = tpu.memref_slice %arg3[%add3A_117, %dma_wait3A_143] : memref<128x2048xf32, #tpu.memory_space<hbm>> -> memref<2x2048xf32, #tpu.memory_space<hbm>>
    %dma_wait3A_145 = arith.constant 2 : i32
    %dma_wait3A_146 = arith.constant 0 : i32
    %dma_wait3A_147 = tpu.memref_slice %arg5[%dma_wait3A_145, %dma_wait3A_146] : memref<4x2048xf32, #tpu.memory_space<vmem>> -> memref<2x2048xf32, #tpu.memory_space<vmem>>
    tpu.wait_dma2 semaphore(%arg7 : memref<!tpu.dma_semaphore, #tpu.memory_space<semaphore_mem>>) src(%dma_wait3A_147 : memref<2x2048xf32, #tpu.memory_space<vmem>>) dst(%dma_wait3A_144 : memref<2x2048xf32, #tpu.memory_space<hbm>>)
    return
  }
}

</mosaic_0001>

<sc_bundles>
// kernel: kernel.3.cloned.1.call-start
scs
__scs_entry_jumppad:
0x0: {  	(pc) =	sbr.rel $0x88, $3  }
0x1: {  	(tag) =	ssettag $0x0;
	lr =	simm.s32 $0x1  }
0x2: {  	[smem:$0x3FA0] =	sst lr;
	_ =	strace $0xD0000000  }
0x3: {  	_ = 	snop  }
0x4: {  	_ = 	snop  }
0x5: {  	_ = 	snop  }
0x6: {  	_ = 	snop  }
0x7: {  	_ = 	snop  }
__scs_overlays_trampoline_lowered:
0x8: {  	[smem:$0x3FAF] =	sst s0  }
0x9: {  	[smem:$0x3FB0] =	sst s1  }
0xa: {  	[smem:$0x3FB1] =	sst s2  }
0xb: {  	[smem:$0x3FB2] =	sst s3  }
0xc: {  	[smem:$0x3FB3] =	sst s4  }
0xd: {  	[smem:$0x3FB4] =	sst s5  }
0xe: {  	[smem:$0x3FB5] =	sst s6  }
0xf: {  	[smem:$0x3FB6] =	sst s7  }
0x10: {  	[smem:$0x3FB7] =	sst s8  }
0x11: {  	[smem:$0x3FB8] =	sst s9;
	s0 =	simm.s32 @!p0 $0x0  }
0x12: {  	s1 =	sld [smem:$0x3F9E];
	s0 =	simm.s32 @p0 $0x1  }
0x13: {  	[smem:$0x3FB9] =	sst s0;
	s0 =	simm.s32 @!p1 $0x0  }
0x14: {  	s2 =	sld [smem:$0x3F9D];
	s0 =	simm.s32 @p1 $0x1  }
0x15: {  	[smem:$0x3FBA] =	sst s0;
	s0 =	simm.s32 @!p2 $0x0  }
0x16: {  	s3 =	sld [smem:$0x3FDB];
	s0 =	simm.s32 @p2 $0x1  }
0x17: {  	s4 =	simm.s32 $0x1BF5;
	[smem:$0x3FBC] =	sst s0  }
0x18: {  	s0 =	sld [smem:$0x3F9F];
	_ =	swait.ge [sflag:s4], $0x0  }
0x19: {  	s7 =	sld [smem:$0x3FA0]  }
0x1a: {  	s8 =	sadd.s32 $0xFFFFE003, lr  }
0x1b: {  	s9 =	sadd.s32 $0xFFFFFEF7, lr;
	s5 =	simm.s32 $0xFFFFFFFF;
	p2 =	slt.u32 s8, $0xFFFFF086  }
0x1c: {  	p1 =	slt.u32 s9, $0xF7A;
	s5 =	simm.s32 @!p2 $0x0  }
0x1d: {  	s5 =	simm.s32 @p1 $0x1;
	p0 =	seq.s32 s7, s2  }
0x1e: {  	s7 =	smul.u32 @!p0 $0xF7A, s2;
	p2 =	seq.s32 @!p0 s5, $0x0  }
0x1f: {  	s9 =	smul.u32 $0xF7A, s1;
	s8 =	simm.s32 @!p0 $0x1BF5;
	p2 =	por !p2, p0  }
0x20: {  	[sflag:s8] =	ssyncset.s32 @!p0 $0xFFFFF086;
	s6 =	sadd.s32 @!p0 s3, s7;
	s7 =	simm.s32 @!p0 $0x108  }
0x21: {  	s3 =	sadd.s32 s3, s9;
	s6 =	sadd.s32 @!p0 $0x88, s6;
	s7 =	simm.s32 @p2 $0x1082  }
0x22: {  	[simem:s7], [sflag:s8] =	dma.local @!p0 [hbm:s6], $0xF7A  }
0x23: {  	s9 =	sor.u32 $0xD0000000, s2;
	s6 =	simm.s32 $0x108;
	_ =	swait.ge @!p0 [sflag:s8], $0x0  }
0x24: {  	s3 =	sadd.s32 $0x88, s3;
	s6 =	simm.s32 @!p1 $0x1082;
	[sflag:s4] =	ssyncset.s32 $0xFFFFF086  }
0x25: {  	[simem:s6], [sflag:s4] =	dma.local [hbm:s3], $0xF7A  }
0x26: {  	[smem:$0x3FA0] =	sst s1;
	(tag) =	ssettag s2;
	_ =	strace s9  }
0x27: {  	s1 =	sld [smem:$0x3FB0]  }
0x28: {  	s2 =	sld [smem:$0x3FB1]  }
0x29: {  	s4 =	sld [smem:$0x3FB3]  }
0x2a: {  	p0 =	seq.s32 s5, $0x0;
	s5 =	sld [smem:$0x3FB4]  }
0x2b: {  	s6 =	sld [smem:$0x3FB5]  }
0x2c: {  	s7 =	sld [smem:$0x3FB6]  }
0x2d: {  	s3 =	simm.s32 $0x108;
	s8 =	sld [smem:$0x3FB7]  }
0x2e: {  	s3 =	simm.s32 @!p0 $0x1082;
	s9 =	sld [smem:$0x3FB8]  }
0x2f: {  	lr =	sadd.s32 s0, s3;
	s0 =	sld [smem:$0x3FAF]  }
0x30: {  	s3 =	sld [smem:$0x3FB2]  }
0x31: {  	[smem:$0x3FBB] =	sst s10  }
0x32: {  	s10 =	sld [smem:$0x3FB9];
	_ =	sdelay $0x3  }
0x33: {  	p0 =	seq.s32 s10, $0x1;
	s10 =	sld [smem:$0x3FBB];
	_ =	sdelay $0x3  }
0x34: {  	[smem:$0x3FBB] =	sst s10  }
0x35: {  	s10 =	sld [smem:$0x3FBA];
	_ =	sdelay $0x3  }
0x36: {  	p1 =	seq.s32 s10, $0x1;
	s10 =	sld [smem:$0x3FBB];
	_ =	sdelay $0x3  }
0x37: {  	[smem:$0x3FBB] =	sst s10  }
0x38: {  	s10 =	sld [smem:$0x3FBC]  }
0x39: {  	_ = 	snop;
	(pc) =	sbr.ind lr, $3  }
0x3a: {  	_ = 	snop  }
0x3b: {  	_ = 	snop  }
0x3c: {  	p2 =	seq.s32 s10, $0x1;
	s10 =	sld [smem:$0x3FBB]  }
0x3d: {  	_ =	shalt  }
0x3e: {  	_ =	shalt  }
0x3f: {  	_ =	shalt  }
0x40: {  	_ =	shalt  }
0x41: {  	_ =	shalt  }
0x42: {  	_ =	shalt  }
0x43: {  	_ =	shalt  }
0x44: {  	_ =	shalt  }
0x45: {  	_ =	shalt  }
0x46: {  	_ =	shalt  }
0x47: {  	_ =	shalt  }
0x48: {  	_ =	shalt  }
0x49: {  	_ =	shalt  }
0x4a: {  	_ =	shalt  }
0x4b: {  	_ =	shalt  }
0x4c: {  	_ =	shalt  }
0x4d: {  	_ =	shalt  }
0x4e: {  	_ =	shalt  }
0x4f: {  	_ =	shalt  }
0x50: {  	_ =	shalt  }
0x51: {  	_ =	shalt  }
0x52: {  	_ =	shalt  }
0x53: {  	_ =	shalt  }
0x54: {  	_ =	shalt  }
0x55: {  	_ =	shalt  }
0x56: {  	_ =	shalt  }
0x57: {  	_ =	shalt  }
0x58: {  	_ =	shalt  }
0x59: {  	_ =	shalt  }
0x5a: {  	_ =	shalt  }
0x5b: {  	_ =	shalt  }
0x5c: {  	_ =	shalt  }
0x5d: {  	_ =	shalt  }
0x5e: {  	_ =	shalt  }
0x5f: {  	_ =	shalt  }
0x60: {  	_ =	shalt  }
0x61: {  	_ =	shalt  }
0x62: {  	_ =	shalt  }
0x63: {  	_ =	shalt  }
0x64: {  	_ =	shalt  }
0x65: {  	_ =	shalt  }
0x66: {  	_ =	shalt  }
0x67: {  	_ =	shalt  }
0x68: {  	_ =	shalt  }
0x69: {  	_ =	shalt  }
0x6a: {  	_ =	shalt  }
0x6b: {  	_ =	shalt  }
0x6c: {  	_ =	shalt  }
0x6d: {  	_ =	shalt  }
0x6e: {  	_ =	shalt  }
0x6f: {  	_ =	shalt  }
0x70: {  	_ =	shalt  }
0x71: {  	_ =	shalt  }
0x72: {  	_ =	shalt  }
0x73: {  	_ =	shalt  }
0x74: {  	_ =	shalt  }
0x75: {  	_ =	shalt  }
0x76: {  	_ =	shalt  }
0x77: {  	_ =	shalt  }
0x78: {  	_ =	shalt  }
0x79: {  	_ =	shalt  }
0x7a: {  	_ =	shalt  }
0x7b: {  	_ =	shalt  }
0x7c: {  	_ =	shalt  }
0x7d: {  	_ =	shalt  }
0x7e: {  	_ =	shalt  }
0x7f: {  	_ =	shalt  }
0x80: {  	_ =	shalt  }
0x81: {  	_ =	shalt  }
0x82: {  	_ =	shalt  }
0x83: {  	_ =	shalt  }
0x84: {  	_ =	shalt  }
0x85: {  	_ =	shalt  }
0x86: {  	_ =	shalt  }
0x87: {  	_ =	shalt  }
.Lfunc_end0:
.L_simem_size_0:
called_computation_lowered:
.L_overlay_start_0:
0x88: {  	s2 =	sld [smem:$0x3FD9]  }
0x89: {  	s3 =	sld [smem:$0x3FFE];
	_ =	sdelay $0x1  }
0x8a: {  	s1 =	srdreg.scid  }
0x8b: {  	s0 =	sand.u32 $0x1, s1  }
0x8c: {  	s18 =	sshll.u32 s0, $0xA;
	s2 =	sadd.s32 s3, s2  }
0x8d: {  	s2 =	sadd.s32 s2, s18  }
0x8e: {  	[smem:$0x3FC7] =	sst s2  }
0x8f: {  	_ = 	snop  }
0x90: {  	s2 =	sld [smem:$0x3FC9]  }
0x91: {  	s19 =	sld [smem:$0x3FD0];
	(tm) =	ssettm $0x1  }
0x92: {  	s4 =	sld [smem:$0x3FFB];
	_ =	sdelay $0x3  }
0x93: {  	_ =	strace s4  }
0x94: {  	s4 =	sld [smem:$0x3FFC];
	_ =	sdelay $0x3  }
0x95: {  	_ =	strace s4  }
0x96: {  	s4 =	sld [smem:$0x3FFD];
	_ =	sdelay $0x3  }
0x97: {  	_ =	strace s4  }
0x98: {  	_ =	strace $0x8FFFFFFF  }
0x99: {  	s20 =	sld [smem:$0x3FDB];
	_ =	sdelay $0x1  }
0x9a: {  	s5 =	simm.s32 $_scs_section_size  }
0x9b: {  	s6 =	simm.s32 $_size__tile_overlayer_lowered;
	s7 =	simm.s32 $_tile_overlayer_lowered  }
0x9c: {  	s23 =	simm.s32 $0x1BFF;
	s22 =	sshll.u32 s7, $0x1;
	s4 =	sadd.s32 s5, s20  }
0x9d: {  	s8 =	simm.s32 $0x0;
	s21 =	sshll.u32 s6, $0x1;
	s6 =	sadd.s32 s22, s4  }
0x9e: {  	[timem:s8], [sflag:s23] =	dma.local [hbm:s6], s21  }
0x9f: {  	_ =	swait.ge [sflag:s23], s21  }
0xa0: {  	s5 =	ssub.s32 $0x0, s21;
	[sflag:s23] =	ssyncset.done $0x0  }
0xa1: {  	[sflag:s23] =	ssyncadd.s32 s5;
	_ =	sdelay $0x1  }
0xa2: {  	s24 =	simm.s32 $0x1B8B  }
0xa3: {  	_ =	swait.ge [sflag:s24], $0x1  }
0xa4: {  	[sflag:s24] =	ssyncset.done $0x0  }
0xa5: {  	s25 =	simm.s32 $0x1B8E;
	[sflag:s24] =	ssyncadd.s32 $0xFFFFFFFF  }
0xa6: {  	s26 =	simm.s32 $execute0_lowered;
	[smem:$0x3FD2] =	sst s25  }
0xa7: {  	s5 =	sshll.u32 s26, $0x1;
	_ =	strace $0x80000046;
	[dreg:$0x1] =	wrdreg $0xFFFFFFFF  }
0xa8: {  	s28 =	simm.s32 $_size_execute0_lowered;
	s4 =	sadd.s32 s4, s5;
	[dreg:$0x0] =	wrdreg $0x0  }
0xa9: {  	s5 =	sshll.u32 s28, $0x1;
	[dreg:$0x2] =	wrdreg s4  }
0xaa: {  	[dreg:$0x3] =	wrdreg s5  }
0xab: {  	[dreg:$0x4] =	wrdreg $0xC0  }
0xac: {  	_ =	task [dreg:s8], $0x5FFFF  }
0xad: {  	[dreg:$0x1] =	wrdreg $0xFFFFFFFF  }
0xae: {  	[dreg:$0x0] =	wrdreg $0x60  }
0xaf: {  	[dreg:$0x2] =	wrdreg s2  }
0xb0: {  	[dreg:$0x3] =	wrdreg s19  }
0xb1: {  	[dreg:$0x4] =	wrdreg $0x9  }
0xb2: {  	_ =	task.clear_ibuf [dreg:s8], $0x5FFFF;
	_ =	strace $0x90000046  }
0xb3: {  	s29 =	simm.s32 $0x9;
	_ =	strace $0x80000048  }
0xb4: {  	_ =	swait.ge [sflag:s29], $0x1  }
0xb5: {  	[sflag:s29] =	ssyncadd.s32 $0xFFFFFFFF  }
0xb6: {  	_ =	strace $0x90000048  }
0xb7: {  	_ =	sfence  }
0xb8: {  	s30 =	sld [smem:$0x0];
	_ =	sdelay $0x2  }
0xb9: {  	s31 =	sshll.u32 s1, $0xD;
	s1 =	sshrl.u32 s1, $0x2  }
0xba: {  	s3 =	sand.u32 $0x4000, s31;
	s1 =	sadd.s32 s1, s30  }
0xbb: {  	s0 =	sor.u32 s3, s0;
	s1 =	sshll.u32 s1, $0x11  }
0xbc: {  	s0 =	sor.u32 s1, s0  }
0xbd: {  	s0 =	sadd.s32 $0x8F2B, s0  }
0xbe: {  	[sflag:s0] =	ssyncadd.remote.s32 $0x1  }
0xbf: {  	_ =	sfence.sel $0xFFFF  }
0xc0: {  	[dreg:$0x0] =	wrdreg $0xFFFFFFFF;
	(pc) =	sbr.abs _section_cstart, $3  }
0xc1: {  	[dreg:$0x1] =	wrdreg $0xFFFFFFFF  }
0xc2: {  	_ =	task.clear_ibuf [dreg:s8], $0x2FFFF;
	_ =	strace $0x9FFFFFFF  }
0xc3: {  	(tm) =	ssettm $0x7FFFFFFF  }
tec
execute0_lowered:
.L_overlay_start_1:
0x0: {  	(tag) =	ssettag $0x1  }
0x1: {  	s0 =	rddreg [dreg:$0x0]  }
0x2: {  	s1 =	rddreg [dreg:$0x1]  }
0x3: {  	s2 =	simm.s32 $0x0;
	s3 =	srdreg.scid;
	s5 =	stileid.u32  }
0x4: {  	s9 =	simm.s32 $0x1;
	s14 =	simm.s32 $0x2B00;
	s16 =	simm.s32 $0x2D00  }
0x5: {  	s18 =	simm.s32 $0x2F00;
	s20 =	simm.s32 $0x3100;
	s22 =	simm.s32 $0x3300  }
0x6: {  	s23 =	simm.s32 $0x3500;
	s24 =	simm.s32 $0x3700;
	s25 =	simm.s32 $0x3900  }
0x7: {  	s26 =	simm.s32 $0x3B00;
	s28 =	simm.s32 $0x3D00;
	s29 =	simm.s32 $0x3F00  }
0x8: {  	s30 =	simm.s32 $0x2;
	s31 =	simm.s32 $0x0;
	s3 =	sand.u32 $0x1, s3  }
0x9: {  	s5 =	sshll.u32 s5, $0xB;
	s4 =	ssub.s32 $0x2, s3;
	s3 =	sshll.u32 s3, $0x6  }
0xa: {  	[smem:$0x7FF] =	sst s2;
	s6 =	sshrl.u32 s4, $0x1;
	s5 =	sor.u32 s3, s5  }
0xb: {  	_ =	strace $0x80000047;
	s6 =	ssub.s32 s4, s6;
	s4 =	sadd.s32 s1, s5  }
0xc: {  	s3 =	sadd.s32 s0, s5;
	s5 =	sadd.s32 $0x20, s4;
	s6 =	smax.u32 s6, $0x1  }
0xd: {  	s11 =	sadd.s32 $0x80, s4;
	s13 =	sadd.s32 $0x100, s4;
	s15 =	sadd.s32 $0x180, s4  }
0xe: {  	v0 =	vlaneseq.u32;
	s17 =	sadd.s32 $0x200, s4;
	s19 =	sadd.s32 $0x280, s4;
	s21 =	sadd.s32 $0x300, s4  }
.LBB2_1:
0xf: {  	s0 =	simm.s32 $0x200;
	s1 =	simm.s32 $0x400  }
0x10: {  	[tilespmem:s2], [sflag:$0x1] =	stream.strided.gather [hbm4b:s3+s0], $0x2000, s1, s0, $0x38;
	[tilespmem:$0x4000] =	vst v63  }
0x11: {  	_ =	swait.ge [sflag:s9], $0x2000  }
0x12: {  	[sflag:s9] =	ssyncset.done $0x0  }
0x13: {  	s0 =	simm.s32 $0x0;
	[sflag:s9] =	ssyncadd.s32 $0xFFFFE000  }
0x14: {  	v1 =	vld [tilespmem:s0+$0x1A0]  }
0x15: {  	v2 =	vld [tilespmem:s0+$0x20]  }
0x16: {  	v3 =	vld [tilespmem:s0+$0x10]  }
0x17: {  	v4 =	vld [tilespmem:s0+$0x180]  }
0x18: {  	v6 =	vld [tilespmem:s0+$0x100]  }
0x19: {  	v5 =	vld [tilespmem:s0+$0x0]  }
0x1a: {  	v7 =	vld [tilespmem:s0+$0x190]  }
0x1b: {  	v8 =	vld [tilespmem:s0+$0x30]  }
0x1c: {  	v11 =	vimm.f32 $-Inf;
	v9 =	vld [tilespmem:s0+$0x1B0]  }
0x1d: {  	v13 =	vld [tilespmem:s0+$0x1C0];
	v10 =	vmin.f32 v11, v4;
	v4 =	vmax.f32 v11, v4;
	v12 =	vmin.f32 v11, v6  }
0x1e: {  	v15 =	vld [tilespmem:s0+$0x40];
	v14 =	vmin.f32 v11, v5;
	v5 =	vmax.f32 v11, v5;
	v10 =	vmax.f32 v11, v10  }
0x1f: {  	v18 =	vld [tilespmem:s0+$0x1D0];
	v14 =	vmax.f32 v11, v14;
	v16 =	vmin.f32 v5, v3;
	v17 =	vmax.f32 v4, v7  }
0x20: {  	v19 =	vld [tilespmem:s0+$0x80];
	v3 =	vmax.f32 v5, v3;
	v12 =	vmax.f32 v11, v12;
	v14 =	vmax.f32 v14, v16  }
0x21: {  	v21 =	vld [tilespmem:s0+$0x1E0];
	v5 =	vmax.f32 v17, v1;
	v16 =	vmin.f32 v3, v2;
	v1 =	vmin.f32 v17, v1  }
0x22: {  	v22 =	vld [tilespmem:s0+$0x70];
	v3 =	vmax.f32 v3, v2;
	v2 =	vmin.f32 v4, v7;
	v20 =	vmin.f32 v5, v9  }
0x23: {  	v17 =	vld [tilespmem:s0+$0x60];
	v5 =	vmax.f32 v5, v9;
	v9 =	vmax.f32 v14, v16;
	v4 =	vmin.f32 v3, v8  }
0x24: {  	v16 =	vld [tilespmem:s0+$0x50];
	v10 =	vmax.f32 v10, v2;
	v3 =	vmax.f32 v3, v8;
	v7 =	vmax.f32 v5, v13  }
0x25: {  	v14 =	vld [tilespmem:s0+$0x1F0];
	v1 =	vmax.f32 v10, v1;
	v23 =	vmin.f32 v3, v15;
	v13 =	vmin.f32 v5, v13  }
0x26: {  	v8 =	vld [tilespmem:s0+$0x90];
	v3 =	vmax.f32 v3, v15;
	v2 =	vmin.f32 v7, v18;
	v7 =	vmax.f32 v7, v18  }
0x27: {  	v25 =	vld [tilespmem:s0+$0x110];
	v18 =	vmax.f32 v9, v4;
	v4 =	vmin.f32 v11, v19;
	v20 =	vmax.f32 v1, v20  }
0x28: {  	v26 =	vld [tilespmem:s0+$0x120];
	v24 =	vmax.f32 v11, v4;
	v15 =	vmax.f32 v7, v21;
	v10 =	vmin.f32 v7, v21  }
0x29: {  	v27 =	vld [tilespmem:s0+$0x140];
	v5 =	vmin.f32 v3, v16;
	v1 =	vmax.f32 v3, v16;
	v16 =	vmax.f32 v11, v19  }
0x2a: {  	v29 =	vld [tilespmem:s0+$0xA0];
	v9 =	vmin.f32 v15, v14;
	v3 =	vmin.f32 v1, v17;
	v17 =	vmax.f32 v1, v17  }
0x2b: {  	v28 =	vld [tilespmem:s0+$0x130];
	v1 =	vmax.f32 v11, v6;
	v19 =	vmin.f32 v16, v8;
	v16 =	vmax.f32 v16, v8  }
0x2c: {  	v7 =	vld [tilespmem:s0+$0xB0];
	v8 =	vmax.f32 v18, v23;
	v4 =	vmin.f32 v17, v22;
	v6 =	vmin.f32 v1, v25  }
0x2d: {  	v11 =	vld [tilespmem:s0+$0x160];
	v21 =	vmax.f32 v1, v25;
	v1 =	vmax.f32 v15, v14;
	v15 =	vmax.f32 v20, v13  }
0x2e: {  	v20 =	vmax.f32 v24, v19;
	v14 =	vmax.f32 v12, v6;
	v12 =	vld [tilespmem:s0+$0x150];
	v18 =	vmin.f32 v21, v26  }
0x2f: {  	v19 =	vld [tilespmem:s0+$0xC0];
	v23 =	vmin.f32 v16, v29;
	v13 =	vmax.f32 v14, v18;
	v14 =	vmax.f32 v21, v26  }
0x30: {  	v6 =	vmax.f32 v17, v22;
	v17 =	vld [tilespmem:s0+$0xD0];
	v18 =	vmin.f32 v14, v28;
	v14 =	vmax.f32 v14, v28  }
0x31: {  	v22 =	vmax.f32 v16, v29;
	v13 =	vmax.f32 v13, v18;
	v63 =	vmin.f32 v14, v27;
	v18 =	vld [tilespmem:s0+$0xE0]  }
0x32: {  	s1 =	simm.s32 $0x800;
	v21 =	vmax.f32 v22, v7;
	v16 =	vmax.f32 v14, v27;
	v14 =	vld [tilespmem:s0+$0x170];
	v13 =	vmax.f32 v13, v63  }
.LBB2_2:
0x33: {  	p0 =	sne.s32 s1, $0x7800;
	v20 =	vmax.f32 v20, v23;
	v7 =	vmin.f32 v22, v7;
	v22 =	vmax.f32 v16, v12;
	v23 =	vld [tilespmem:s0+$0xF0];
	s0 =	sshra.s32 s1, $0x2;
	s1 =	sadd.s32 $0x800, s1  }
0x34: {  	v5 =	vmax.f32 v8, v5;
	v2 =	vmax.f32 v15, v2;
	v24 =	vld [tilespmem:s0+$0x1A0];
	v25 =	vmax.f32 v21, v19  }
0x35: {  	v15 =	vmin.f32 v21, v19;
	v2 =	vmax.f32 v2, v10;
	v8 =	vld [tilespmem:s0+$0x20];
	v19 =	vmax.f32 v25, v17  }
0x36: {  	v7 =	vmax.f32 v20, v7;
	v2 =	vmax.f32 v2, v9;
	v10 =	vld [tilespmem:s0+$0x10];
	v20 =	vmax.f32 v19, v18  }
0x37: {  	v12 =	vmin.f32 v16, v12;
	v7 =	vmax.f32 v7, v15;
	v15 =	vmin.f32 v25, v17;
	v9 =	vld [tilespmem:s0+$0x180]  }
0x38: {  	v3 =	vmax.f32 v5, v3;
	v7 =	vmax.f32 v7, v15;
	v5 =	vmin.f32 v19, v18;
	v16 =	vld [tilespmem:s0+$0x100]  }
0x39: {  	v3 =	vmax.f32 v3, v4;
	v5 =	vmax.f32 v7, v5;
	v4 =	vmin.f32 v20, v23;
	v15 =	vld [tilespmem:s0+$0x0]  }
0x3a: {  	v17 =	vmax.f32 v22, v11;
	v18 =	vmax.f32 v20, v23;
	v4 =	vmax.f32 v5, v4;
	v7 =	vld [tilespmem:s0+$0x190]  }
0x3b: {  	v11 =	vmin.f32 v22, v11;
	v19 =	vmin.f32 v17, v14;
	v14 =	vmax.f32 v17, v14;
	v5 =	vld [tilespmem:s0+$0x30]  }
0x3c: {  	v12 =	vmax.f32 v13, v12;
	v17 =	vmin.f32 v1, v9;
	v1 =	vmax.f32 v1, v9;
	v9 =	vld [tilespmem:s0+$0x1B0]  }
0x3d: {  	v11 =	vmax.f32 v12, v11;
	v13 =	vmin.f32 v14, v16;
	v2 =	vmax.f32 v2, v17;
	v17 =	vld [tilespmem:s0+$0x1C0]  }
0x3e: {  	v11 =	vmax.f32 v11, v19;
	v12 =	vmin.f32 v6, v15;
	v6 =	vmax.f32 v6, v15;
	v15 =	vld [tilespmem:s0+$0x40]  }
0x3f: {  	v3 =	vmax.f32 v3, v12;
	v12 =	vmin.f32 v6, v10;
	v19 =	vmax.f32 v1, v7;
	v20 =	vld [tilespmem:s0+$0x1D0]  }
0x40: {  	v6 =	vmax.f32 v6, v10;
	v21 =	vld [tilespmem:s0+$0x80];
	v3 =	vmax.f32 v3, v12;
	v10 =	vmax.f32 v19, v24  }
0x41: {  	v12 =	vmin.f32 v6, v8;
	v22 =	vmin.f32 v10, v9;
	v9 =	vmax.f32 v10, v9;
	v10 =	vld [tilespmem:s0+$0x1E0]  }
0x42: {  	v6 =	vmax.f32 v6, v8;
	v3 =	vmax.f32 v3, v12;
	v12 =	vmin.f32 v19, v24;
	v8 =	vld [tilespmem:s0+$0x1F0]  }
0x43: {  	v1 =	vmin.f32 v1, v7;
	v7 =	vmin.f32 v6, v5;
	v19 =	vmax.f32 v9, v17;
	v23 =	vld [tilespmem:s0+$0x50]  }
0x44: {  	v1 =	vmax.f32 v2, v1;
	v2 =	vmin.f32 v19, v20;
	v19 =	vmax.f32 v19, v20;
	v20 =	vld [tilespmem:s0+$0x60]  }
0x45: {  	v1 =	vmax.f32 v1, v12;
	v12 =	vmax.f32 v3, v7;
	v3 =	vmax.f32 v6, v5;
	v6 =	vld [tilespmem:s0+$0x70]  }
0x46: {  	v17 =	vmin.f32 v9, v17;
	v25 =	vmin.f32 v3, v15;
	v5 =	vmin.f32 v18, v21;
	v24 =	vld [tilespmem:s0+$0x90]  }
0x47: {  	v3 =	vmax.f32 v3, v15;
	v26 =	vmax.f32 v4, v5;
	v15 =	vmax.f32 v19, v10;
	v7 =	vld [tilespmem:s0+$0x110]  }
0x48: {  	v22 =	vmax.f32 v1, v22;
	v27 =	vld [tilespmem:s0+$0x120];
	v5 =	vmin.f32 v3, v23;
	v1 =	vmax.f32 v3, v23  }
0x49: {  	v18 =	vmax.f32 v18, v21;
	v9 =	vmin.f32 v15, v8;
	v28 =	vld [tilespmem:s0+$0x140];
	v3 =	vmin.f32 v1, v20  }
0x4a: {  	v11 =	vmax.f32 v11, v13;
	v10 =	vmin.f32 v19, v10;
	v19 =	vmax.f32 v1, v20;
	v13 =	vld [tilespmem:s0+$0x130]  }
0x4b: {  	v1 =	vmax.f32 v14, v16;
	v4 =	vmin.f32 v19, v6;
	v14 =	vmin.f32 v18, v24;
	v16 =	vld [tilespmem:s0+$0xA0]  }
0x4c: {  	v20 =	vmin.f32 v1, v7;
	v21 =	vmax.f32 v1, v7;
	v7 =	vld [tilespmem:s0+$0xB0];
	v1 =	vmax.f32 v15, v8  }
0x4d: {  	v24 =	vmax.f32 v18, v24;
	v8 =	vmax.f32 v12, v25;
	v23 =	vmax.f32 v11, v20;
	v12 =	vld [tilespmem:s0+$0x150]  }
.Ltmp0:
0x4e: {  	v6 =	vmax.f32 v19, v6;
	v15 =	vmax.f32 v22, v17;
	v18 =	vmin.f32 v21, v27;
	v11 =	vld [tilespmem:s0+$0x160];
	(pc) =	sbr.rel @p0 .LBB2_2-.Ltmp0, $4  }
0x4f: {  	v20 =	vmax.f32 v26, v14;
	v17 =	vmax.f32 v21, v27;
	v14 =	vmax.f32 v23, v18;
	v19 =	vld [tilespmem:s0+$0xC0]  }
0x50: {  	v18 =	vmin.f32 v17, v13;
	v25 =	vmax.f32 v17, v13;
	v22 =	vmax.f32 v24, v16;
	v17 =	vld [tilespmem:s0+$0xD0]  }
0x51: {  	v13 =	vmax.f32 v14, v18;
	v14 =	vmin.f32 v25, v28;
	v21 =	vmax.f32 v22, v7;
	v18 =	vld [tilespmem:s0+$0xE0]  }
0x52: {  	v23 =	vmin.f32 v24, v16;
	v16 =	vmax.f32 v25, v28;
	v13 =	vmax.f32 v13, v14;
	v14 =	vld [tilespmem:s0+$0x170]  }
0x53: {  	v24 =	vld [tilespmem:s0+$0xF0];
	_ =	sdelay $0x1  }
0x54: {  	v25 =	vmax.f32 v21, v19  }
0x55: {  	(xrf1) =	vsort.dscd.msk.f32 $0xffff, v6, v0;
	v26 =	vmax.f32 v25, v17  }
0x56: {  	v6 =	vmax.f32 v26, v18  }
0x57: {  	v27 =	vmax.f32 v6, v24  }
0x58: {  	(xrf1) =	vsort.dscd.msk.f32 $0xffff, v27, v0;
	_ =	sdelay $0x3  }
0x59: {  	v20 =	vmax.f32 v20, v23;
	v7 =	vmin.f32 v22, v7;
	v5 =	vmax.f32 v8, v5  }
0x5a: {  	v8 =	vmin.f32 v21, v19;
	v7 =	vmax.f32 v20, v7;
	v3 =	vmax.f32 v5, v3  }
0x5b: {  	v5 =	vmax.f32 v7, v8;
	v7 =	vmin.f32 v25, v17;
	v3 =	vmax.f32 v3, v4  }
0x5c: {  	v4 =	vmax.f32 v5, v7;
	v5 =	vmin.f32 v26, v18;
	(xrf0) =	vmax.scan.msk.f32 $0xffff, v3  }
0x5d: {  	v3 =	vmax.f32 v4, v5;
	v4 =	vmin.f32 v6, v24  }
0x5e: {  	v3 =	vmax.f32 v3, v4  }
0x5f: {  	(xrf0) =	vmax.scan.msk.f32 $0xffff, v3  }
0x60: {  	v4, _, _ =	vpop (xrf1)  }
0x61: {  	(v2sf) =	vpush v4, $0x0  }
0x62: {  	v3, _, _ =	vpop (xrf0);
	(v2sf) =	vpush v4, $0x1  }
0x63: {  	(v2sf) =	vpush v3, $0xF;
	v3, _, _ =	vpop (xrf1)  }
0x64: {  	(v2sf) =	vpush v3, $0x0  }
0x65: {  	v5, _, _ =	vpop (xrf0);
	(v2sf) =	vpush v3, $0x1  }
0x66: {  	(v2sf) =	vpush v5, $0xF;
	_ =	sdelay $0x9  }
0x67: {  	s0 =	simm.s32 $0x0;
	s1 =	spop (v2sf)  }
0x68: {  	v17 =	vld [tilespmem:s0+$0x0];
	s7 =	spop (v2sf)  }
0x69: {  	v7 =	vld [tilespmem:s0+$0xF0];
	s8 =	spop (v2sf)  }
0x6a: {  	s10 =	spop (v2sf)  }
0x6b: {  	v18 =	vld [tilespmem:s0+$0x80];
	v4 =	vbroadcast v4, $0x0;
	s1 =	smax.f32 s1, $0.0e+00;
	s12 =	spop (v2sf)  }
0x6c: {  	v2 =	vmax.f32 v15, v2;
	v19 =	vld [tilespmem:s0+$0x10];
	v5 =	vbroadcast v3, $0x0;
	s7 =	smax.f32 s7, s8;
	s8 =	spop (v2sf)  }
0x6d: {  	v62 =	vmax.f32 v16, v12;
	v55 =	vld [tilespmem:s0+$0x90];
	v2 =	vmax.f32 v2, v10;
	vm1 =	veq.f32 v17, v4;
	s8 =	smax.f32 s12, s8;
	s12 =	smax.f32 s7, $0.0e+00  }
0x6e: {  	v56 =	vld [tilespmem:s0+$0x20];
	vm0 =	veq.f32 v7, v5;
	v3 =	vmov s1;
	s10 =	smax.f32 s10, $0.0e+00;
	s8 =	smax.f32 s8, $0.0e+00;
	v7 =	vmov s12  }
0x6f: {  	v57 =	vld [tilespmem:s0+$0xA0];
	v6 =	vmov s10;
	v8 =	vmov s8;
	v59 =	vsel vm1, v7, v3  }
0x70: {  	v58 =	vld [tilespmem:s0+$0x30];
	v63 =	vmin.f32 v62, v11;
	v17 =	vsel vm0, v8, v6;
	vm0 =	veq.f32 v18, v5;
	[tilespmem:s0+$0x2000] =	vst v59  }
0x71: {  	v2 =	vmax.f32 v2, v9;
	v18 =	vld [tilespmem:s0+$0xB0];
	[tilespmem:s0+$0x20F0] =	vst v17;
	v17 =	vsel vm0, v8, v6;
	vm0 =	veq.f32 v19, v4  }
0x72: {  	v9 =	vmin.f32 v16, v12;
	v19 =	vld [tilespmem:s0+$0x40];
	[tilespmem:s0+$0x2080] =	vst v17;
	v17 =	vsel vm0, v7, v3;
	vm0 =	veq.f32 v55, v5  }
0x73: {  	v60 =	vld [tilespmem:s0+$0xC0];
	v16 =	vmax.f32 v62, v11;
	[tilespmem:s0+$0x2010] =	vst v17;
	v17 =	vsel vm0, v8, v6;
	vm0 =	veq.f32 v56, v4  }
0x74: {  	v9 =	vmax.f32 v13, v9;
	[tilespmem:s0+$0x2090] =	vst v17;
	v21 =	vsel vm0, v7, v3;
	v17 =	vld [tilespmem:s0+$0x50];
	vm0 =	veq.f32 v57, v5  }
0x75: {  	v15 =	vld [tilespmem:s0+$0xD0];
	v9 =	vmax.f32 v9, v63;
	[tilespmem:s0+$0x2020] =	vst v21;
	v61 =	vsel vm0, v8, v6;
	vm0 =	veq.f32 v58, v4  }
0x76: {  	v12 =	vld [tilespmem:s0+$0x60];
	[tilespmem:s0+$0x20A0] =	vst v61;
	v10 =	vsel vm0, v7, v3;
	vm0 =	veq.f32 v18, v5;
	v18 =	vmin.f32 v16, v14  }
0x77: {  	v11 =	vld [tilespmem:s0+$0xE0];
	[tilespmem:s0+$0x2030] =	vst v10;
	v13 =	vsel vm0, v8, v6;
	v10 =	vmax.f32 v16, v14;
	vm0 =	veq.f32 v19, v4  }
0x78: {  	s1 =	simm.s32 $0x200;
	s7 =	simm.s32 $0x1000;
	v9 =	vmax.f32 v9, v18;
	[tilespmem:s0+$0x20B0] =	vst v13;
	v14 =	vsel vm0, v7, v3;
	vm0 =	veq.f32 v60, v5;
	v13 =	vld [tilespmem:s0+$0x70]  }
.LBB2_4:
0x79: {  	p0 =	sne.s32 s7, $0x7800;
	v16 =	vld [tilespmem:s1+$0xF0];
	[tilespmem:s0+$0x2040] =	vst v14;
	v14 =	vsel vm0, v8, v6;
	vm0 =	veq.f32 v17, v4  }
0x7a: {  	v17 =	vld [tilespmem:s1+$0x0];
	[tilespmem:s0+$0x20C0] =	vst v14;
	v14 =	vsel vm0, v7, v3;
	vm0 =	veq.f32 v15, v5  }
0x7b: {  	v15 =	vld [tilespmem:s1+$0x80];
	[tilespmem:s0+$0x2050] =	vst v14;
	v14 =	vsel vm0, v8, v6;
	vm0 =	veq.f32 v12, v4  }
0x7c: {  	v12 =	vld [tilespmem:s1+$0x10];
	[tilespmem:s0+$0x20D0] =	vst v14;
	v14 =	vsel vm0, v7, v3;
	vm0 =	veq.f32 v11, v5  }
0x7d: {  	v11 =	vld [tilespmem:s1+$0x90];
	[tilespmem:s0+$0x2060] =	vst v14;
	v14 =	vsel vm0, v8, v6;
	vm0 =	veq.f32 v13, v4  }
0x7e: {  	v13 =	vld [tilespmem:s1+$0x20];
	vm1 =	veq.f32 v16, v5;
	[tilespmem:s0+$0x20E0] =	vst v14;
	v14 =	vsel vm0, v7, v3  }
0x7f: {  	vm0 =	veq.f32 v17, v4;
	v16 =	vld [tilespmem:s1+$0xA0];
	v17 =	vsel vm1, v8, v6;
	[tilespmem:s0+$0x2070] =	vst v14;
	s0 =	smov.u32 s1  }
0x80: {  	v14 =	vsel vm0, v7, v3;
	vm0 =	veq.f32 v15, v5;
	v15 =	vld [tilespmem:s0+$0x30];
	[tilespmem:s0+$0x20F0] =	vst v17  }
0x81: {  	[tilespmem:s0+$0x2000] =	vst v14;
	v14 =	vsel vm0, v8, v6;
	vm0 =	veq.f32 v12, v4;
	v12 =	vld [tilespmem:s0+$0xB0]  }
0x82: {  	[tilespmem:s0+$0x2080] =	vst v14;
	v14 =	vsel vm0, v7, v3;
	vm0 =	veq.f32 v11, v5;
	v11 =	vld [tilespmem:s0+$0x40]  }
0x83: {  	[tilespmem:s0+$0x2010] =	vst v14;
	v14 =	vsel vm0, v8, v6;
	vm0 =	veq.f32 v13, v4;
	v13 =	vld [tilespmem:s0+$0xC0]  }
.Ltmp1:
0x84: {  	[tilespmem:s0+$0x2090] =	vst v14;
	v14 =	vsel vm0, v7, v3;
	vm0 =	veq.f32 v16, v5;
	v17 =	vld [tilespmem:s0+$0x50];
	(pc) =	sbr.rel @p0 .LBB2_4-.Ltmp1, $4  }
0x85: {  	[tilespmem:s0+$0x2020] =	vst v14;
	v14 =	vsel vm0, v8, v6;
	vm0 =	veq.f32 v15, v4;
	v15 =	vld [tilespmem:s0+$0xD0]  }
0x86: {  	[tilespmem:s0+$0x20A0] =	vst v14;
	v14 =	vsel vm0, v7, v3;
	vm0 =	veq.f32 v12, v5;
	v12 =	vld [tilespmem:s0+$0x60]  }
0x87: {  	[tilespmem:s0+$0x2030] =	vst v14;
	v14 =	vsel vm0, v8, v6;
	vm0 =	veq.f32 v11, v4;
	v11 =	vld [tilespmem:s0+$0xE0]  }
0x88: {  	s1 =	sshra.s32 s7, $0x2;
	s7 =	sadd.s32 $0x800, s7;
	[tilespmem:s0+$0x20B0] =	vst v14;
	v14 =	vsel vm0, v7, v3;
	vm0 =	veq.f32 v13, v5;
	v13 =	vld [tilespmem:s0+$0x70]  }
0x89: {  	v16 =	vld [tilespmem:s1+$0xF0];
	[tilespmem:s0+$0x2040] =	vst v14;
	v14 =	vsel vm0, v8, v6;
	vm0 =	veq.f32 v17, v4  }
0x8a: {  	v18 =	vld [tilespmem:s1+$0x0];
	[tilespmem:s0+$0x20C0] =	vst v14;
	v14 =	vsel vm0, v7, v3;
	vm0 =	veq.f32 v15, v5  }
0x8b: {  	v58 =	vld [tilespmem:s1+$0x80];
	[tilespmem:s0+$0x2050] =	vst v14;
	v14 =	vsel vm0, v8, v6;
	vm0 =	veq.f32 v12, v4  }
0x8c: {  	v15 =	vld [tilespmem:s1+$0x10];
	[tilespmem:s0+$0x20D0] =	vst v14;
	v12 =	vsel vm0, v7, v3;
	vm0 =	veq.f32 v11, v5  }
0x8d: {  	v14 =	vld [tilespmem:s1+$0x90];
	[tilespmem:s0+$0x2060] =	vst v12;
	v11 =	vsel vm0, v8, v6;
	vm0 =	veq.f32 v13, v4  }
0x8e: {  	v12 =	vld [tilespmem:s1+$0x20];
	[tilespmem:s0+$0x20E0] =	vst v11;
	v11 =	vsel vm0, v7, v3;
	vm0 =	veq.f32 v16, v5  }
0x8f: {  	v13 =	vld [tilespmem:s1+$0xA0];
	[tilespmem:s0+$0x2070] =	vst v11;
	vm1 =	veq.f32 v18, v4;
	v11 =	vsel vm0, v8, v6  }
0x90: {  	v59 =	vld [tilespmem:s1+$0x30];
	[tilespmem:s1+$0x20F0] =	vst v11;
	v11 =	vsel vm1, v7, v3;
	vm0 =	veq.f32 v58, v5  }
0x91: {  	v60 =	vld [tilespmem:s1+$0xB0];
	[tilespmem:s1+$0x2000] =	vst v11;
	v11 =	vsel vm0, v8, v6;
	vm0 =	veq.f32 v15, v4  }
0x92: {  	v15 =	vld [tilespmem:s1+$0x40];
	[tilespmem:s1+$0x2080] =	vst v11;
	v11 =	vsel vm0, v7, v3;
	vm0 =	veq.f32 v14, v5  }
0x93: {  	v14 =	vld [tilespmem:s1+$0xC0];
	[tilespmem:s1+$0x2010] =	vst v11;
	v11 =	vsel vm0, v8, v6;
	vm0 =	veq.f32 v12, v4  }
0x94: {  	v12 =	vld [tilespmem:s1+$0x50];
	[tilespmem:s1+$0x2090] =	vst v11;
	v11 =	vsel vm0, v7, v3;
	vm0 =	veq.f32 v13, v5  }
0x95: {  	v13 =	vld [tilespmem:s1+$0xD0];
	[tilespmem:s1+$0x2020] =	vst v11;
	v11 =	vsel vm0, v8, v6;
	vm0 =	veq.f32 v59, v4  }
0x96: {  	v61 =	vld [tilespmem:s1+$0x60];
	[tilespmem:s1+$0x20A0] =	vst v11;
	v11 =	vsel vm0, v7, v3;
	vm0 =	veq.f32 v60, v5  }
0x97: {  	v62 =	vld [tilespmem:s1+$0xE0];
	[tilespmem:s1+$0x2030] =	vst v11;
	v11 =	vsel vm0, v8, v6;
	vm0 =	veq.f32 v15, v4  }
0x98: {  	[tilespmem:s1+$0x20B0] =	vst v11;
	v11 =	vsel vm0, v7, v3;
	vm0 =	veq.f32 v14, v5;
	v14 =	vld [tilespmem:s1+$0x70]  }
0x99: {  	[tilespmem:s1+$0x2040] =	vst v11;
	v11 =	vsel vm0, v8, v6;
	vm0 =	veq.f32 v12, v4  }
0x9a: {  	[tilespmem:s1+$0x20C0] =	vst v11;
	v11 =	vsel vm0, v7, v3;
	vm0 =	veq.f32 v13, v5  }
0x9b: {  	[tilespmem:s1+$0x2050] =	vst v11;
	v11 =	vsel vm0, v8, v6;
	vm0 =	veq.f32 v61, v4  }
0x9c: {  	[tilespmem:s1+$0x20D0] =	vst v11;
	v11 =	vsel vm0, v7, v3;
	vm0 =	veq.f32 v62, v5  }
0x9d: {  	(xrf1) =	vsort.dscd.msk.f32 $0xffff, v10, v0;
	[tilespmem:s1+$0x2060] =	vst v11;
	v5 =	vsel vm0, v8, v6;
	vm0 =	veq.f32 v14, v4  }
0x9e: {  	[tilespmem:s1+$0x20E0] =	vst v5;
	v3 =	vsel vm0, v7, v3  }
0x9f: {  	s7 =	simm.s32 $0x2000;
	s0 =	simm.s32 $0x0;
	[tilespmem:s1+$0x2070] =	vst v3  }
0xa0: {  	[hbm4b:s4+s0] =	stream.linear.scatter [tilespmem:s7], [sflag:$0x2], $0x100, $0x38;
	[tilespmem:$0x4000] =	vst v63  }
0xa1: {  	s8 =	simm.s32 $0x2200;
	(xrf1) =	vsort.dscd.msk.f32 $0xffff, v1, v0  }
0xa2: {  	[hbm4b:s11+s0] =	stream.linear.scatter [tilespmem:s8], [sflag:$0x2], $0x100, $0x38;
	[tilespmem:$0x4000] =	vst v63  }
0xa3: {  	s10 =	simm.s32 $0x2400  }
0xa4: {  	[hbm4b:s13+s0] =	stream.linear.scatter [tilespmem:s10], [sflag:$0x2], $0x100, $0x38;
	[tilespmem:$0x4000] =	vst v63  }
0xa5: {  	s12 =	simm.s32 $0x2600  }
0xa6: {  	[hbm4b:s15+s0] =	stream.linear.scatter [tilespmem:s12], [sflag:$0x2], $0x100, $0x38;
	[tilespmem:$0x4000] =	vst v63  }
0xa7: {  	s7 =	simm.s32 $0x2800  }
0xa8: {  	[hbm4b:s17+s0] =	stream.linear.scatter [tilespmem:s7], [sflag:$0x2], $0x100, $0x38;
	[tilespmem:$0x4000] =	vst v63  }
0xa9: {  	(xrf0) =	vmax.scan.msk.f32 $0xffff, v9;
	s8 =	simm.s32 $0x2A00  }
0xaa: {  	[hbm4b:s19+s0] =	stream.linear.scatter [tilespmem:s8], [sflag:$0x2], $0x100, $0x38;
	[tilespmem:$0x4000] =	vst v63  }
0xab: {  	(xrf0) =	vmax.scan.msk.f32 $0xffff, v2;
	v4, _, _ =	vpop (xrf1);
	s10 =	simm.s32 $0x2C00  }
0xac: {  	(v2sf) =	vpush v4, $0x0;
	[hbm4b:s21+s0] =	stream.linear.scatter [tilespmem:s10], [sflag:$0x2], $0x100, $0x38;
	[tilespmem:$0x4000] =	vst v63  }
0xad: {  	s12 =	sadd.s32 $0x380, s4;
	s7 =	simm.s32 $0x2E00  }
0xae: {  	(v2sf) =	vpush v4, $0x1;
	[hbm4b:s12+s0] =	stream.linear.scatter [tilespmem:s7], [sflag:$0x2], $0x100, $0x38;
	[tilespmem:$0x4000] =	vst v63  }
0xaf: {  	v1, _, _ =	vpop (xrf0);
	s8 =	simm.s32 $0x3000;
	s7 =	sadd.s32 $0x400, s4  }
0xb0: {  	(v2sf) =	vpush v1, $0xF;
	v1, _, _ =	vpop (xrf1);
	[hbm4b:s7+s0] =	stream.linear.scatter [tilespmem:s8], [sflag:$0x2], $0x100, $0x38;
	[tilespmem:$0x4000] =	vst v63  }
0xb1: {  	(v2sf) =	vpush v1, $0x0;
	s10 =	sadd.s32 $0x480, s4;
	s12 =	simm.s32 $0x3200  }
0xb2: {  	v2, _, _ =	vpop (xrf0);
	(v2sf) =	vpush v1, $0x1;
	[hbm4b:s10+s0] =	stream.linear.scatter [tilespmem:s12], [sflag:$0x2], $0x100, $0x38;
	[tilespmem:$0x4000] =	vst v63  }
0xb3: {  	(v2sf) =	vpush v2, $0xF;
	s7 =	sadd.s32 $0x500, s4;
	s8 =	simm.s32 $0x3400  }
0xb4: {  	[hbm4b:s7+s0] =	stream.linear.scatter [tilespmem:s8], [sflag:$0x2], $0x100, $0x38;
	[tilespmem:$0x4000] =	vst v63  }
0xb5: {  	s10 =	sadd.s32 $0x580, s4;
	s12 =	simm.s32 $0x3600  }
0xb6: {  	[hbm4b:s10+s0] =	stream.linear.scatter [tilespmem:s12], [sflag:$0x2], $0x100, $0x38;
	[tilespmem:$0x4000] =	vst v63  }
0xb7: {  	s7 =	sadd.s32 $0x600, s4;
	s8 =	simm.s32 $0x3800  }
0xb8: {  	[hbm4b:s7+s0] =	stream.linear.scatter [tilespmem:s8], [sflag:$0x2], $0x100, $0x38;
	[tilespmem:$0x4000] =	vst v63  }
0xb9: {  	s10 =	sadd.s32 $0x680, s4;
	s12 =	simm.s32 $0x3A00  }
0xba: {  	[hbm4b:s10+s0] =	stream.linear.scatter [tilespmem:s12], [sflag:$0x2], $0x100, $0x38;
	[tilespmem:$0x4000] =	vst v63  }
0xbb: {  	s1 =	spop (v2sf);
	s8 =	sadd.s32 $0x700, s4;
	s10 =	simm.s32 $0x3C00  }
0xbc: {  	[hbm4b:s8+s0] =	stream.linear.scatter [tilespmem:s10], [sflag:$0x2], $0x100, $0x38;
	[tilespmem:$0x4000] =	vst v63  }
0xbd: {  	s7 =	spop (v2sf);
	s12 =	sadd.s32 $0x780, s4;
	s8 =	simm.s32 $0x3E00  }
0xbe: {  	[hbm4b:s12+s0] =	stream.linear.scatter [tilespmem:s8], [sflag:$0x2], $0x100, $0x38;
	[tilespmem:$0x4000] =	vst v63  }
0xbf: {  	s0 =	simm.s32 $0x0;
	s8 =	spop (v2sf)  }
0xc0: {  	v5 =	vld [tilespmem:s0+$0x1F0];
	s10 =	spop (v2sf)  }
0xc1: {  	v7 =	vld [tilespmem:s0+$0x100];
	s12 =	spop (v2sf)  }
0xc2: {  	v8 =	vld [tilespmem:s0+$0x180];
	s7 =	smax.f32 s7, s8;
	s8 =	spop (v2sf)  }
0xc3: {  	v3 =	vbroadcast v1, $0x0;
	s1 =	smax.f32 s1, $0.0e+00;
	v9 =	vld [tilespmem:s0+$0x110];
	s8 =	smax.f32 s12, s8  }
0xc4: {  	v2 =	vbroadcast v4, $0x0;
	v1 =	vmov s1;
	v10 =	vld [tilespmem:s0+$0x190];
	s10 =	smax.f32 s10, $0.0e+00;
	s8 =	smax.f32 s8, $0.0e+00  }
0xc5: {  	v11 =	vld [tilespmem:s0+$0x120];
	v4 =	vmov s10;
	s12 =	smax.f32 s7, $0.0e+00;
	v6 =	vmov s8;
	vm0 =	veq.f32 v5, v3  }
0xc6: {  	v12 =	vld [tilespmem:s0+$0x1A0];
	v5 =	vmov s12;
	vm1 =	veq.f32 v7, v2;
	v7 =	vsel vm0, v6, v4  }
0xc7: {  	v13 =	vld [tilespmem:s0+$0x130];
	v14 =	vsel vm1, v5, v1;
	vm0 =	veq.f32 v8, v3;
	[tilespmem:s0+$0x21F0] =	vst v7  }
0xc8: {  	[tilespmem:s0+$0x2100] =	vst v14;
	v7 =	vsel vm0, v6, v4;
	v14 =	vld [tilespmem:s0+$0x1B0];
	vm0 =	veq.f32 v9, v2  }
0xc9: {  	v15 =	vld [tilespmem:s0+$0x140];
	[tilespmem:s0+$0x2180] =	vst v7;
	v7 =	vsel vm0, v5, v1;
	vm0 =	veq.f32 v10, v3  }
0xca: {  	v63 =	vld [tilespmem:s0+$0x1C0];
	[tilespmem:s0+$0x2110] =	vst v7;
	v7 =	vsel vm0, v6, v4;
	vm0 =	veq.f32 v11, v2  }
0xcb: {  	[tilespmem:s0+$0x2190] =	vst v7;
	v8 =	vsel vm0, v5, v1;
	v7 =	vld [tilespmem:s0+$0x150];
	vm0 =	veq.f32 v12, v3  }
0xcc: {  	[tilespmem:s0+$0x2120] =	vst v8;
	v9 =	vsel vm0, v6, v4;
	v8 =	vld [tilespmem:s0+$0x1D0];
	vm0 =	veq.f32 v13, v2  }
0xcd: {  	[tilespmem:s0+$0x21A0] =	vst v9;
	v10 =	vsel vm0, v5, v1;
	v9 =	vld [tilespmem:s0+$0x160];
	vm0 =	veq.f32 v14, v3  }
0xce: {  	[tilespmem:s0+$0x2130] =	vst v10;
	v11 =	vsel vm0, v6, v4;
	v10 =	vld [tilespmem:s0+$0x1E0];
	vm0 =	veq.f32 v15, v2  }
0xcf: {  	s1 =	simm.s32 $0x200;
	s7 =	simm.s32 $0x1000;
	[tilespmem:s0+$0x21B0] =	vst v11;
	v12 =	vsel vm0, v5, v1;
	vm0 =	veq.f32 v63, v3;
	v11 =	vld [tilespmem:s0+$0x170]  }
.LBB2_6:
0xd0: {  	p0 =	sne.s32 s7, $0x7800;
	v13 =	vld [tilespmem:s1+$0x1F0];
	[tilespmem:s0+$0x2140] =	vst v12;
	v12 =	vsel vm0, v6, v4;
	vm0 =	veq.f32 v7, v2  }
0xd1: {  	v7 =	vld [tilespmem:s1+$0x100];
	[tilespmem:s0+$0x21C0] =	vst v12;
	v12 =	vsel vm0, v5, v1;
	vm0 =	veq.f32 v8, v3  }
0xd2: {  	v8 =	vld [tilespmem:s1+$0x180];
	[tilespmem:s0+$0x2150] =	vst v12;
	v12 =	vsel vm0, v6, v4;
	vm0 =	veq.f32 v9, v2  }
0xd3: {  	v9 =	vld [tilespmem:s1+$0x110];
	[tilespmem:s0+$0x21D0] =	vst v12;
	v12 =	vsel vm0, v5, v1;
	vm0 =	veq.f32 v10, v3  }
0xd4: {  	v10 =	vld [tilespmem:s1+$0x190];
	[tilespmem:s0+$0x2160] =	vst v12;
	v12 =	vsel vm0, v6, v4;
	vm0 =	veq.f32 v11, v2  }
0xd5: {  	v11 =	vld [tilespmem:s1+$0x120];
	vm1 =	veq.f32 v13, v3;
	[tilespmem:s0+$0x21E0] =	vst v12;
	v12 =	vsel vm0, v5, v1  }
0xd6: {  	vm0 =	veq.f32 v7, v2;
	v7 =	vld [tilespmem:s1+$0x1A0];
	v13 =	vsel vm1, v6, v4;
	[tilespmem:s0+$0x2170] =	vst v12;
	s0 =	smov.u32 s1  }
0xd7: {  	v12 =	vsel vm0, v5, v1;
	vm0 =	veq.f32 v8, v3;
	v8 =	vld [tilespmem:s0+$0x130];
	[tilespmem:s0+$0x21F0] =	vst v13  }
0xd8: {  	[tilespmem:s0+$0x2100] =	vst v12;
	v12 =	vsel vm0, v6, v4;
	vm0 =	veq.f32 v9, v2;
	v9 =	vld [tilespmem:s0+$0x1B0]  }
0xd9: {  	[tilespmem:s0+$0x2180] =	vst v12;
	v12 =	vsel vm0, v5, v1;
	vm0 =	veq.f32 v10, v3;
	v10 =	vld [tilespmem:s0+$0x140]  }
0xda: {  	[tilespmem:s0+$0x2110] =	vst v12;
	v12 =	vsel vm0, v6, v4;
	vm0 =	veq.f32 v11, v2;
	v11 =	vld [tilespmem:s0+$0x1C0]  }
.Ltmp2:
0xdb: {  	[tilespmem:s0+$0x2190] =	vst v12;
	v12 =	vsel vm0, v5, v1;
	vm0 =	veq.f32 v7, v3;
	v7 =	vld [tilespmem:s0+$0x150];
	(pc) =	sbr.rel @p0 .LBB2_6-.Ltmp2, $4  }
0xdc: {  	[tilespmem:s0+$0x2120] =	vst v12;
	v12 =	vsel vm0, v6, v4;
	vm0 =	veq.f32 v8, v2;
	v8 =	vld [tilespmem:s0+$0x1D0]  }
0xdd: {  	[tilespmem:s0+$0x21A0] =	vst v12;
	v12 =	vsel vm0, v5, v1;
	vm0 =	veq.f32 v9, v3;
	v9 =	vld [tilespmem:s0+$0x160]  }
0xde: {  	[tilespmem:s0+$0x2130] =	vst v12;
	v12 =	vsel vm0, v6, v4;
	vm0 =	veq.f32 v10, v2;
	v10 =	vld [tilespmem:s0+$0x1E0]  }
0xdf: {  	s1 =	sshra.s32 s7, $0x2;
	s7 =	sadd.s32 $0x800, s7;
	[tilespmem:s0+$0x21B0] =	vst v12;
	v12 =	vsel vm0, v5, v1;
	vm0 =	veq.f32 v11, v3;
	v11 =	vld [tilespmem:s0+$0x170]  }
0xe0: {  	v13 =	vld [tilespmem:s1+$0x1F0];
	[tilespmem:s0+$0x2140] =	vst v12;
	v32 =	vsel vm0, v6, v4;
	vm8 =	veq.f32 v7, v2  }
0xe1: {  	v14 =	vld [tilespmem:s1+$0x100];
	[tilespmem:s0+$0x21C0] =	vst v32;
	v7 =	vsel vm8, v5, v1;
	vm9 =	veq.f32 v8, v3  }
0xe2: {  	v12 =	vld [tilespmem:s1+$0x180];
	[tilespmem:s0+$0x2150] =	vst v7;
	v33 =	vsel vm9, v6, v4;
	vm10 =	veq.f32 v9, v2  }
0xe3: {  	v34 =	vld [tilespmem:s1+$0x110];
	[tilespmem:s0+$0x21D0] =	vst v33;
	v35 =	vsel vm10, v5, v1;
	vm11 =	veq.f32 v10, v3  }
0xe4: {  	v36 =	vld [tilespmem:s1+$0x190];
	[tilespmem:s0+$0x2160] =	vst v35;
	v37 =	vsel vm11, v6, v4;
	vm12 =	veq.f32 v11, v2  }
0xe5: {  	v38 =	vld [tilespmem:s1+$0x120];
	[tilespmem:s0+$0x21E0] =	vst v37;
	v39 =	vsel vm12, v5, v1;
	vm13 =	veq.f32 v13, v3  }
0xe6: {  	v40 =	vld [tilespmem:s1+$0x1A0];
	[tilespmem:s0+$0x2170] =	vst v39;
	vm1 =	veq.f32 v14, v2;
	v41 =	vsel vm13, v6, v4  }
0xe7: {  	v42 =	vld [tilespmem:s1+$0x130];
	[tilespmem:s1+$0x21F0] =	vst v41;
	v43 =	vsel vm1, v5, v1;
	vm14 =	veq.f32 v12, v3  }
0xe8: {  	v45 =	vld [tilespmem:s1+$0x1B0];
	[tilespmem:s1+$0x2100] =	vst v43;
	v44 =	vsel vm14, v6, v4;
	vm15 =	veq.f32 v34, v2  }
0xe9: {  	v47 =	vld [tilespmem:s1+$0x140];
	[tilespmem:s1+$0x2180] =	vst v44;
	v46 =	vsel vm15, v5, v1;
	vm4 =	veq.f32 v36, v3  }
0xea: {  	v49 =	vld [tilespmem:s1+$0x1C0];
	[tilespmem:s1+$0x2110] =	vst v46;
	v48 =	vsel vm4, v6, v4;
	vm5 =	veq.f32 v38, v2  }
0xeb: {  	v51 =	vld [tilespmem:s1+$0x150];
	[tilespmem:s1+$0x2190] =	vst v48;
	v50 =	vsel vm5, v5, v1;
	vm6 =	veq.f32 v40, v3  }
0xec: {  	v53 =	vld [tilespmem:s1+$0x1D0];
	[tilespmem:s1+$0x2120] =	vst v50;
	v52 =	vsel vm6, v6, v4;
	vm7 =	veq.f32 v42, v2  }
0xed: {  	v55 =	vld [tilespmem:s1+$0x160];
	vm8 =	veq.f32 v45, v3;
	[tilespmem:s1+$0x21A0] =	vst v52;
	v54 =	vsel vm7, v5, v1  }
0xee: {  	v57 =	vld [tilespmem:s1+$0x1E0];
	vm9 =	veq.f32 v47, v2;
	v56 =	vsel vm8, v6, v4;
	[tilespmem:s1+$0x2130] =	vst v54  }
0xef: {  	v59 =	vld [tilespmem:s1+$0x170];
	vm10 =	veq.f32 v49, v3;
	v58 =	vsel vm9, v5, v1;
	[tilespmem:s1+$0x21B0] =	vst v56  }
0xf0: {  	vm11 =	veq.f32 v51, v2;
	v60 =	vsel vm10, v6, v4;
	[tilespmem:s1+$0x2140] =	vst v58  }
0xf1: {  	vm12 =	veq.f32 v53, v3;
	v61 =	vsel vm11, v5, v1;
	[tilespmem:s1+$0x21C0] =	vst v60  }
0xf2: {  	vm13 =	veq.f32 v55, v2;
	v62 =	vsel vm12, v6, v4;
	[tilespmem:s1+$0x2150] =	vst v61  }
0xf3: {  	vm14 =	veq.f32 v57, v3;
	v63 =	vsel vm13, v5, v1;
	[tilespmem:s1+$0x21D0] =	vst v62  }
0xf4: {  	vm15 =	veq.f32 v59, v2;
	v3 =	vsel vm14, v6, v4;
	[tilespmem:s1+$0x2160] =	vst v63  }
0xf5: {  	v1 =	vsel vm15, v5, v1;
	[tilespmem:s1+$0x21E0] =	vst v3  }
0xf6: {  	[tilespmem:s1+$0x2170] =	vst v1;
	s1 =	simm.s32 $0x2100  }
0xf7: {  	[hbm4b:s5+s2] =	stream.linear.scatter [tilespmem:s1], [sflag:$0x2], $0x100, $0x38;
	[tilespmem:$0x4000] =	vst v63  }
0xf8: {  	s7 =	sadd.s32 $0x80, s5;
	s8 =	simm.s32 $0x2300  }
0xf9: {  	[hbm4b:s7+s2] =	stream.linear.scatter [tilespmem:s8], [sflag:$0x2], $0x100, $0x38;
	[tilespmem:$0x4000] =	vst v63  }
0xfa: {  	s10 =	sadd.s32 $0x100, s5;
	s12 =	simm.s32 $0x2500  }
0xfb: {  	[hbm4b:s10+s2] =	stream.linear.scatter [tilespmem:s12], [sflag:$0x2], $0x100, $0x38;
	[tilespmem:$0x4000] =	vst v63  }
0xfc: {  	s1 =	sadd.s32 $0x180, s5;
	s7 =	simm.s32 $0x2700  }
0xfd: {  	[hbm4b:s1+s2] =	stream.linear.scatter [tilespmem:s7], [sflag:$0x2], $0x100, $0x38;
	[tilespmem:$0x4000] =	vst v63  }
0xfe: {  	s8 =	sadd.s32 $0x200, s5;
	s10 =	simm.s32 $0x2900  }
0xff: {  	[hbm4b:s8+s2] =	stream.linear.scatter [tilespmem:s10], [sflag:$0x2], $0x100, $0x38;
	[tilespmem:$0x4000] =	vst v63  }
0x100: {  	s12 =	sadd.s32 $0x280, s5  }
0x101: {  	[hbm4b:s12+s2] =	stream.linear.scatter [tilespmem:s14], [sflag:$0x2], $0x100, $0x38;
	[tilespmem:$0x4000] =	vst v63  }
0x102: {  	s1 =	sadd.s32 $0x300, s5  }
0x103: {  	[hbm4b:s1+s2] =	stream.linear.scatter [tilespmem:s16], [sflag:$0x2], $0x100, $0x38;
	[tilespmem:$0x4000] =	vst v63  }
0x104: {  	s7 =	sadd.s32 $0x380, s5  }
0x105: {  	[hbm4b:s7+s2] =	stream.linear.scatter [tilespmem:s18], [sflag:$0x2], $0x100, $0x38;
	[tilespmem:$0x4000] =	vst v63  }
0x106: {  	s8 =	sadd.s32 $0x400, s5  }
0x107: {  	[hbm4b:s8+s2] =	stream.linear.scatter [tilespmem:s20], [sflag:$0x2], $0x100, $0x38;
	[tilespmem:$0x4000] =	vst v63  }
0x108: {  	s10 =	sadd.s32 $0x480, s5  }
0x109: {  	[hbm4b:s10+s2] =	stream.linear.scatter [tilespmem:s22], [sflag:$0x2], $0x100, $0x38;
	[tilespmem:$0x4000] =	vst v63  }
0x10a: {  	s12 =	sadd.s32 $0x500, s5  }
0x10b: {  	[hbm4b:s12+s2] =	stream.linear.scatter [tilespmem:s23], [sflag:$0x2], $0x100, $0x38;
	[tilespmem:$0x4000] =	vst v63  }
0x10c: {  	s1 =	sadd.s32 $0x580, s5  }
0x10d: {  	[hbm4b:s1+s2] =	stream.linear.scatter [tilespmem:s24], [sflag:$0x2], $0x100, $0x38;
	[tilespmem:$0x4000] =	vst v63  }
0x10e: {  	s7 =	sadd.s32 $0x600, s5  }
0x10f: {  	[hbm4b:s7+s2] =	stream.linear.scatter [tilespmem:s25], [sflag:$0x2], $0x100, $0x38;
	[tilespmem:$0x4000] =	vst v63  }
0x110: {  	s8 =	sadd.s32 $0x680, s5  }
0x111: {  	[hbm4b:s8+s2] =	stream.linear.scatter [tilespmem:s26], [sflag:$0x2], $0x100, $0x38;
	[tilespmem:$0x4000] =	vst v63  }
0x112: {  	s10 =	sadd.s32 $0x700, s5  }
0x113: {  	[hbm4b:s10+s2] =	stream.linear.scatter [tilespmem:s28], [sflag:$0x2], $0x100, $0x38;
	[tilespmem:$0x4000] =	vst v63  }
0x114: {  	s31 =	sadd.s32 $0x1, s31;
	s12 =	sadd.s32 $0x780, s5  }
0x115: {  	[hbm4b:s12+s2] =	stream.linear.scatter [tilespmem:s29], [sflag:$0x2], $0x100, $0x38;
	[tilespmem:$0x4000] =	vst v63  }
0x116: {  	p0 =	sne.s32 s31, s6;
	_ =	swait.ge [sflag:s30], $0x1000  }
.Ltmp3:
0x117: {  	[sflag:s30] =	ssyncset.done $0x0;
	(pc) =	sbr.rel @p0 .LBB2_1-.Ltmp3, $4  }
0x118: {  	[sflag:s30] =	ssyncadd.s32 $0xFFFFF000  }
0x119: {  	_ =	swait.ge [sflag:s30], $0x1000  }
0x11a: {  	[sflag:s30] =	ssyncset.done $0x0  }
0x11b: {  	[sflag:s30] =	ssyncadd.s32 $0xFFFFF000  }
0x11c: {  	_ =	sfence.sel $0x180000  }
0x11d: {  	[bflag:$0x0] =	sbarrier.arrive $0xFFFF  }
0x11e: {  	_ =	strace $0x90000047  }
0x11f: {  	s0 =	stileid.u32;
	[bflag:$0x2] =	sbarrier.arrive $0xFFFF  }
0x120: {  	p0 =	sne.s32 s0, $0x0;
	s0 =	rddreg [dreg:$0x2]  }
0x121: {  	s0 =	sadd.s32 @!p0 $0x100000, s0  }
0x122: {  	[sflag:s0] =	ssyncadd.tile.s32 @!p0 $0x1;
	_ =	shalt  }
.Lfunc_end2:
_tile_overlayer_lowered:
.L_overlay_start_2:
0x123: {  	(tag) =	ssettag $0x2  }
0x124: {  	s0 =	rddreg [dreg:$0x0];
	s2 =	stileid.u32  }
0x125: {  	s1 =	rddreg [dreg:$0x1];
	p0 =	sne.s32 s2, $0x0  }
0x126: {  	s3 =	rddreg [dreg:$0x2];
	[bflag:$0x3] =	sbarrier.arrive $0xFFFF;
	s2 =	simm.s32 @!p0 $0x1C03  }
0x127: {  	[timem:s3], [sflag:s2] =	dma.local @!p0 [hbm:s0], s1  }
0x128: {  	s0 =	simm.s32 @!p0 $0x3  }
0x129: {  	_ =	swait.ge @!p0 [sflag:s0], s1  }
0x12a: {  	s1 =	ssub.s32 @!p0 $0x0, s1;
	[sflag:s0] =	ssyncset.done @!p0 $0x0  }
0x12b: {  	[sflag:s0] =	ssyncadd.s32 @!p0 s1  }
0x12c: {  	[bflag:$0x3] =	sbarrier.arrive $0xFFFF  }
0x12d: {  	_ =	shalt  }

</sc_bundles>
